<compile_context>
chip_gen: v7x
topology: tpu7x:2x2x1
jax: 0.10.2.dev20260603
libtpu: 0.0.44.dev20260713+nightly
codegen_flags: <defaults>
</compile_context>

<pallas_src>
import functools

import jax
import jax.numpy as jnp
from jax import lax
from jax.experimental import pallas as pl
from jax.experimental.pallas import tpu as pltpu
from jax.experimental.pallas import tpu_sc as plsc

_H = 64
_V = 64
_B = 128
_L = 2048
_K = 4

_NC = 2
_NS = 16
_NW = _NC * _NS
_RPW = _B // _NW
_LANES = 16


@functools.partial(
    pl.kernel,
    out_type=jax.ShapeDtypeStruct((_B, _V), jnp.float32),
    mesh=plsc.VectorSubcoreMesh(core_axis_name="c", subcore_axis_name="s"),
    compiler_params=pltpu.CompilerParams(needs_layout_passes=False),
    scratch_types=[
        pltpu.VMEM((_RPW, _L), jnp.int32),
        pltpu.VMEM((_RPW * _LANES * _V,), jnp.float32),
        pltpu.VMEM((_RPW, _V), jnp.float32),
    ],
)
def _hist_sc(seq_hbm, counts_hbm, seq_v, hist_v, cnt_v):
    wid = lax.axis_index("s") * _NC + lax.axis_index("c")
    base = wid * _RPW
    pltpu.sync_copy(seq_hbm.at[pl.ds(base, _RPW)], seq_v)

    zeros16 = jnp.zeros((_LANES,), jnp.float32)

    def zbody(i, carry):
        hist_v[pl.ds(i * _LANES, _LANES)] = zeros16
        return carry

    jax.lax.fori_loop(0, _RPW * _LANES * _V // _LANES, zbody, 0, unroll=8)

    lane = lax.broadcasted_iota(jnp.int32, (_LANES,), 0)
    ones16 = jnp.ones((_LANES,), jnp.float32)
    for r in range(_RPW):
        lane_base = lane * _V + r * (_LANES * _V)

        def sbody(j, carry):
            tok = seq_v[r, pl.ds(j * _LANES, _LANES)]
            plsc.addupdate_scatter(hist_v, [tok + lane_base], ones16)
            return carry

        jax.lax.fori_loop(0, _L // _LANES, sbody, 0, unroll=8)

    for r in range(_RPW):
        for j in range(_V // _LANES):
            acc = zeros16
            for l in range(_LANES):
                acc = acc + hist_v[pl.ds(r * (_LANES * _V) + l * _V + j * _LANES,
                                         _LANES)]
            cnt_v[r, pl.ds(j * _LANES, _LANES)] = acc

    pltpu.sync_copy(cnt_v, counts_hbm.at[pl.ds(base, _RPW)])


def _dense_body(seq_ref, counts_ref, embed_ref, W1_ref, b1_ref, W2_ref, b2_ref,
                gamma_ref, beta_ref, Wg1_ref, bg1_ref, Wg2_ref, bg2_ref,
                Wq_ref, bq_ref, Wout_ref, bout_ref, out_ref):
    f32 = jnp.float32

    E = embed_ref[...]
    h1 = jnp.maximum(
        jnp.dot(E, W1_ref[...], preferred_element_type=f32) + b1_ref[...], 0.0)
    ff = jnp.dot(h1, W2_ref[...], preferred_element_type=f32) + b2_ref[...]
    X = E + ff
    mu = jnp.mean(X, axis=1, keepdims=True)
    var = jnp.mean((X - mu) ** 2, axis=1, keepdims=True)
    Hv = (X - mu) / jnp.sqrt(var + 1e-5) * gamma_ref[...] + beta_ref[...]

    g1 = jnp.maximum(
        jnp.dot(Hv, Wg1_ref[...], preferred_element_type=f32) + bg1_ref[...], 0.0)
    gl = jnp.dot(g1, Wg2_ref[...], preferred_element_type=f32) + bg2_ref[...]

    iu = lax.broadcasted_iota(jnp.int32, (_V, _V), 0)
    it = lax.broadcasted_iota(jnp.int32, (_V, _V), 1)
    gcol = jnp.broadcast_to(gl, (_V, _V))
    grow = jnp.sum(jnp.where(iu == it, gcol, 0.0), axis=0, keepdims=True)
    ahead = ((gcol > grow) | ((gcol == grow) & (iu < it))).astype(f32)

    counts = counts_ref[...]
    A = lax.dot_general(counts, ahead, (((1,), (0,)), ((), ())),
                        preferred_element_type=f32)
    m_tok = jnp.minimum(counts, jnp.maximum(float(_K) - A, 0.0))

    lt = seq_ref[:, 127:128]
    itb = lax.broadcasted_iota(jnp.int32, (_B, _V), 1)
    OL = (jnp.broadcast_to(lt, (_B, _V)) == itb).astype(f32)
    qh = jnp.dot(OL, Hv, preferred_element_type=f32)
    q = jnp.dot(qh, Wq_ref[...], preferred_element_type=f32) + bq_ref[...]

    S = lax.dot_general(q, Hv, (((1,), (1,)), ((), ())),
                        preferred_element_type=f32) * 0.125
    sel = m_tok > 0.0
    smax = jnp.max(jnp.where(sel, S, -1e30), axis=1, keepdims=True)
    w = m_tok * jnp.exp(jnp.where(sel, S - smax, 0.0))
    Z = jnp.sum(w, axis=1, keepdims=True)
    wn = w / Z
    pooled = jnp.dot(wn, Hv, preferred_element_type=f32)
    out_ref[...] = (jnp.dot(pooled, Wout_ref[...], preferred_element_type=f32)
                    + bout_ref[...])


def _dense_call(seq, counts, embed, W1, b1, W2, b2, gamma, beta, Wg1, bg1,
                Wg2, bg2, Wq, bq, Wout, bout):
    r = lambda x: x.reshape(1, -1)
    args = (seq, counts, embed, W1, r(b1), W2, r(b2), r(gamma), r(beta),
            Wg1, r(bg1), Wg2, r(bg2), Wq, r(bq), Wout, r(bout))
    full = lambda a: pl.BlockSpec(a.shape, lambda i: (0,) * a.ndim)
    specs = [pl.BlockSpec((_B, 128), lambda i: (0, _L // 128 - 1))]
    specs += [full(a) for a in args[1:]]
    return pl.pallas_call(
        _dense_body,
        grid=(1,),
        out_shape=jax.ShapeDtypeStruct((_B, _V), jnp.float32),
        in_specs=specs,
        out_specs=pl.BlockSpec((_B, _V), lambda i: (0, 0)),
    )(*args)


def kernel(seq, embed, W1, b1, W2, b2, gamma, beta, Wg1, bg1, Wg2, bg2,
           Wq, bq, Wout, bout):
    return _hist_sc(seq)

# --- scband reference (transcript-rebuilt; emitter-appended) ---
"""Pipeline reference for scband-baseline-no-reenc-model-3204045603567 (READ-ONLY COPY).

The authoritative reference and input builder live on the scoring server;
editing this copy changes nothing except your own understanding.
"""

import jax, jax.numpy as jnp
import numpy as np

HIDDEN_DIM = 64
VOCAB_SIZE = 64
FORWARD_SLOTS = 4


def _init_linear(key, fan_in, fan_out):
    k1, k2 = jax.random.split(key)
    bound = 1.0 / np.sqrt(fan_in)
    W = jax.random.uniform(k1, (fan_in, fan_out), jnp.float32, -bound, bound)
    b = jax.random.uniform(k2, (fan_out,), jnp.float32, -bound, bound)
    return W, b


def setup_inputs(seed: int = 0) -> dict:
    key = jax.random.key(seed)
    ks = jax.random.split(key, 10)
    seq = jax.random.randint(ks[0], (128, 2048), 0, VOCAB_SIZE)
    embed = jax.random.normal(ks[1], (VOCAB_SIZE, HIDDEN_DIM), jnp.float32)
    W1, b1 = _init_linear(ks[2], HIDDEN_DIM, HIDDEN_DIM * 2)
    W2, b2 = _init_linear(ks[3], HIDDEN_DIM * 2, HIDDEN_DIM)
    gamma = jnp.ones((HIDDEN_DIM,), jnp.float32)
    beta = jnp.zeros((HIDDEN_DIM,), jnp.float32)
    Wg1, bg1 = _init_linear(ks[4], HIDDEN_DIM, HIDDEN_DIM // 2)
    Wg2, bg2 = _init_linear(ks[5], HIDDEN_DIM // 2, 1)
    Wq, bq = _init_linear(ks[6], HIDDEN_DIM, HIDDEN_DIM)
    Wout, bout = _init_linear(ks[7], HIDDEN_DIM, VOCAB_SIZE)
    return {"seq": seq, "embed": embed, "W1": W1, "b1": b1, "W2": W2, "b2": b2,
            "gamma": gamma, "beta": beta, "Wg1": Wg1, "bg1": bg1, "Wg2": Wg2, "bg2": bg2,
            "Wq": Wq, "bq": bq, "Wout": Wout, "bout": bout}


def _layernorm(x, gamma, beta):
    m = jnp.mean(x, axis=-1, keepdims=True)
    v = jnp.mean((x - m) ** 2, axis=-1, keepdims=True)
    return (x - m) / jnp.sqrt(v + 1e-5) * gamma + beta


def reference(seq, embed, W1, b1, W2, b2, gamma, beta, Wg1, bg1, Wg2, bg2, Wq, bq, Wout, bout):
    # Encoder
    h0 = jnp.take(embed, seq, axis=0)                       # [B, L, H]
    ff = jnp.maximum(h0 @ W1 + b1, 0.0) @ W2 + b2
    h = _layernorm(h0 + ff, gamma, beta)                    # [B, L, H]
    # ForwardGate -> top-k slot selection
    g = jax.nn.sigmoid(jnp.maximum(h @ Wg1 + bg1, 0.0) @ Wg2 + bg2)[..., 0]  # [B, L]
    L = h.shape[1]
    k = min(FORWARD_SLOTS, L)
    _, idx = jax.lax.top_k(g, k)                            # [B, k]
    slots = jnp.take_along_axis(h, idx[:, :, None], axis=1)  # [B, k, H]
    # ReadHead
    query_h = h[:, -1, :]                                   # [B, H]
    q = query_h @ Wq + bq                                   # [B, H]
    scores = jnp.einsum('bkh,bh->bk', slots, q) / np.sqrt(HIDDEN_DIM)
    attn = jax.nn.softmax(scores, axis=-1)                  # [B, k]
    pooled = jnp.sum(attn[:, :, None] * slots, axis=1)      # [B, H]
    return pooled @ Wout + bout                             # [B, VOCAB_SIZE]

if __name__ == "__main__":
    import jax
    _d = setup_inputs()
    print(jax.jit(kernel)(*tuple(_d.values())))

</pallas_src>

<mosaic_0001>
#map = affine_map<(d0, d1) -> (0, 0)>
module attributes {stable_mosaic.version = 14 : i64} {
  func.func @_hist_sc(%arg0: i32, %arg1: i32, %arg2: memref<128x2048xi32, #tpu.memory_space<hbm>>, %arg3: memref<128x64xf32, #tpu.memory_space<hbm>>, %arg4: memref<4x2048xi32, #tpu.memory_space<vmem>>, %arg5: memref<4096xf32, #tpu.memory_space<vmem>>, %arg6: memref<4x64xf32, #tpu.memory_space<vmem>>) attributes {dimension_semantics = [#tpu.dimension_semantics<core_parallel>, #tpu.dimension_semantics<subcore_parallel>], iteration_bounds = array<i64: 2, 16>, scalar_prefetch = 0 : i64, scratch_operands = 3 : i64, tpu.core_type = #tpu.core_type<sc_vector_subcore>, window_params = [{transform_indices = #map}, {transform_indices = #map}]} {
    %mul3A = arith.constant 2 : i32
    %mul3A_0 = arith.muli %arg1, %mul3A : i32
    %add3A = arith.addi %mul3A_0, %arg0 : i32
    %mul3A_1 = arith.constant 4 : i32
    %mul3A_2 = arith.muli %add3A, %mul3A_1 : i32
    "tpu.region"() ({
      %run_scoped3A = tpu.sem_alloc : memref<!tpu.dma_semaphore, #tpu.memory_space<semaphore_mem>>
      %dma_start3A = arith.constant 0 : i32
      %dma_start3A_889 = tpu.memref_slice %arg2[%mul3A_2, %dma_start3A] : memref<128x2048xi32, #tpu.memory_space<hbm>> -> memref<4x2048xi32, #tpu.memory_space<hbm>>
      %dma_start3A_890 = arith.constant 0 : i32
      %dma_start3A_891 = tpu.memref_slice %arg2[%mul3A_2, %dma_start3A_890] : memref<128x2048xi32, #tpu.memory_space<hbm>> -> memref<4x2048xi32, #tpu.memory_space<hbm>>
      tpu.enqueue_dma source(%dma_start3A_891 : memref<4x2048xi32, #tpu.memory_space<hbm>>) target(%arg4 : memref<4x2048xi32, #tpu.memory_space<vmem>>) target_semaphore(%run_scoped3A : memref<!tpu.dma_semaphore, #tpu.memory_space<semaphore_mem>>)
      %dma_wait3A = arith.constant 0 : i32
      %dma_wait3A_892 = tpu.memref_slice %arg2[%mul3A_2, %dma_wait3A] : memref<128x2048xi32, #tpu.memory_space<hbm>> -> memref<4x2048xi32, #tpu.memory_space<hbm>>
      %dma_wait3A_893 = arith.constant 0 : i32
      %dma_wait3A_894 = tpu.memref_slice %arg2[%mul3A_2, %dma_wait3A_893] : memref<128x2048xi32, #tpu.memory_space<hbm>> -> memref<4x2048xi32, #tpu.memory_space<hbm>>
      tpu.wait_dma2 semaphore(%run_scoped3A : memref<!tpu.dma_semaphore, #tpu.memory_space<semaphore_mem>>) src(%dma_wait3A_894 : memref<4x2048xi32, #tpu.memory_space<hbm>>) dst(%arg4 : memref<4x2048xi32, #tpu.memory_space<vmem>>)
      tpu.yield
    }) : () -> ()
    %broadcast_in_dim3A = arith.constant 0.000000e+00 : f32
    %broadcast_in_dim3A_3 = vector.broadcast %broadcast_in_dim3A : f32 to vector<16xf32>
    %scan3A = arith.constant 0 : i32
    %scan3A_4 = arith.constant 0 : i32
    %scan3A_5 = arith.constant 256 : i32
    %scan3A_6 = arith.addi %scan3A_4, %scan3A_5 : i32
    %scan3A_7 = arith.constant 8 : i32
    scf.for %scan3A_889 = %scan3A_4 to %scan3A_6 step %scan3A_7  : i32 {
      %mul3A_890 = arith.constant 16 : i32
      %mul3A_891 = arith.muli %scan3A_889, %mul3A_890 : i32
      %swap3A_892 = arith.index_cast %mul3A_891 : i32 to index
      %swap3A_893 = tpu.vector_load %arg5[%swap3A_892] {strides = array<i32>} : memref<4096xf32, #tpu.memory_space<vmem>>, vector<16xf32>,
      tpu.vector_store %arg5[%swap3A_892], %broadcast_in_dim3A_3 {strides = array<i32>} : memref<4096xf32, #tpu.memory_space<vmem>>, vector<16xf32>,
      %scan3A_894 = arith.constant 1 : i32
      %scan3A_895 = arith.addi %scan3A_889, %scan3A_894 : i32
      %mul3A_896 = arith.constant 16 : i32
      %mul3A_897 = arith.muli %scan3A_895, %mul3A_896 : i32
      %swap3A_898 = arith.index_cast %mul3A_897 : i32 to index
      %swap3A_899 = tpu.vector_load %arg5[%swap3A_898] {strides = array<i32>} : memref<4096xf32, #tpu.memory_space<vmem>>, vector<16xf32>,
      tpu.vector_store %arg5[%swap3A_898], %broadcast_in_dim3A_3 {strides = array<i32>} : memref<4096xf32, #tpu.memory_space<vmem>>, vector<16xf32>,
      %scan3A_900 = arith.constant 2 : i32
      %scan3A_901 = arith.addi %scan3A_889, %scan3A_900 : i32
      %mul3A_902 = arith.constant 16 : i32
      %mul3A_903 = arith.muli %scan3A_901, %mul3A_902 : i32
      %swap3A_904 = arith.index_cast %mul3A_903 : i32 to index
      %swap3A_905 = tpu.vector_load %arg5[%swap3A_904] {strides = array<i32>} : memref<4096xf32, #tpu.memory_space<vmem>>, vector<16xf32>,
      tpu.vector_store %arg5[%swap3A_904], %broadcast_in_dim3A_3 {strides = array<i32>} : memref<4096xf32, #tpu.memory_space<vmem>>, vector<16xf32>,
      %scan3A_906 = arith.constant 3 : i32
      %scan3A_907 = arith.addi %scan3A_889, %scan3A_906 : i32
      %mul3A_908 = arith.constant 16 : i32
      %mul3A_909 = arith.muli %scan3A_907, %mul3A_908 : i32
      %swap3A_910 = arith.index_cast %mul3A_909 : i32 to index
      %swap3A_911 = tpu.vector_load %arg5[%swap3A_910] {strides = array<i32>} : memref<4096xf32, #tpu.memory_space<vmem>>, vector<16xf32>,
      tpu.vector_store %arg5[%swap3A_910], %broadcast_in_dim3A_3 {strides = array<i32>} : memref<4096xf32, #tpu.memory_space<vmem>>, vector<16xf32>,
      %scan3A_912 = arith.constant 4 : i32
      %scan3A_913 = arith.addi %scan3A_889, %scan3A_912 : i32
      %mul3A_914 = arith.constant 16 : i32
      %mul3A_915 = arith.muli %scan3A_913, %mul3A_914 : i32
      %swap3A_916 = arith.index_cast %mul3A_915 : i32 to index
      %swap3A_917 = tpu.vector_load %arg5[%swap3A_916] {strides = array<i32>} : memref<4096xf32, #tpu.memory_space<vmem>>, vector<16xf32>,
      tpu.vector_store %arg5[%swap3A_916], %broadcast_in_dim3A_3 {strides = array<i32>} : memref<4096xf32, #tpu.memory_space<vmem>>, vector<16xf32>,
      %scan3A_918 = arith.constant 5 : i32
      %scan3A_919 = arith.addi %scan3A_889, %scan3A_918 : i32
      %mul3A_920 = arith.constant 16 : i32
      %mul3A_921 = arith.muli %scan3A_919, %mul3A_920 : i32
      %swap3A_922 = arith.index_cast %mul3A_921 : i32 to index
      %swap3A_923 = tpu.vector_load %arg5[%swap3A_922] {strides = array<i32>} : memref<4096xf32, #tpu.memory_space<vmem>>, vector<16xf32>,
      tpu.vector_store %arg5[%swap3A_922], %broadcast_in_dim3A_3 {strides = array<i32>} : memref<4096xf32, #tpu.memory_space<vmem>>, vector<16xf32>,
      %scan3A_924 = arith.constant 6 : i32
      %scan3A_925 = arith.addi %scan3A_889, %scan3A_924 : i32
      %mul3A_926 = arith.constant 16 : i32
      %mul3A_927 = arith.muli %scan3A_925, %mul3A_926 : i32
      %swap3A_928 = arith.index_cast %mul3A_927 : i32 to index
      %swap3A_929 = tpu.vector_load %arg5[%swap3A_928] {strides = array<i32>} : memref<4096xf32, #tpu.memory_space<vmem>>, vector<16xf32>,
      tpu.vector_store %arg5[%swap3A_928], %broadcast_in_dim3A_3 {strides = array<i32>} : memref<4096xf32, #tpu.memory_space<vmem>>, vector<16xf32>,
      %scan3A_930 = arith.constant 7 : i32
      %scan3A_931 = arith.addi %scan3A_889, %scan3A_930 : i32
      %mul3A_932 = arith.constant 16 : i32
      %mul3A_933 = arith.muli %scan3A_931, %mul3A_932 : i32
      %swap3A_934 = arith.index_cast %mul3A_933 : i32 to index
      %swap3A_935 = tpu.vector_load %arg5[%swap3A_934] {strides = array<i32>} : memref<4096xf32, #tpu.memory_space<vmem>>, vector<16xf32>,
      tpu.vector_store %arg5[%swap3A_934], %broadcast_in_dim3A_3 {strides = array<i32>} : memref<4096xf32, #tpu.memory_space<vmem>>, vector<16xf32>,
    }
    %scan3A_8 = arith.constant 256 : i32
    %iota3A = tpu.iota {dimensions = array<i32: 0>} : vector<16xi32>
    %broadcast_in_dim3A_9 = arith.constant 1.000000e+00 : f32
    %broadcast_in_dim3A_10 = vector.broadcast %broadcast_in_dim3A_9 : f32 to vector<16xf32>
    %mul3A_11 = arith.constant 64 : i32
    %mul3A_12 = vector.broadcast %mul3A_11 : i32 to vector<16xi32>
    %mul3A_13 = arith.muli %iota3A, %mul3A_12 : vector<16xi32>
    %add3A_14 = arith.constant 0 : i32
    %add3A_15 = vector.broadcast %add3A_14 : i32 to vector<16xi32>
    %add3A_16 = arith.addi %mul3A_13, %add3A_15 : vector<16xi32>
    %scan3A_17 = arith.constant 0 : i32
    %scan3A_18 = arith.constant 0 : i32
    %scan3A_19 = arith.constant 128 : i32
    %scan3A_20 = arith.addi %scan3A_18, %scan3A_19 : i32
    %scan3A_21 = arith.constant 8 : i32
    scf.for %scan3A_889 = %scan3A_18 to %scan3A_20 step %scan3A_21  : i32 {
      %mul3A_890 = arith.constant 16 : i32
      %mul3A_891 = arith.muli %scan3A_889, %mul3A_890 : i32
      %get3A_892 = arith.constant 0 : i32
      %get3A_893 = arith.index_cast %get3A_892 : i32 to index
      %get3A_894 = arith.index_cast %mul3A_891 : i32 to index
      %get3A_895 = tpu.vector_load %arg4[%get3A_893, %get3A_894] {strides = array<i32>} : memref<4x2048xi32, #tpu.memory_space<vmem>>, vector<16xi32>,
      %add3A_896 = arith.addi %get3A_895, %add3A_16 : vector<16xi32>
      tpu.vector_store_idx %arg5[%add3A_896], %broadcast_in_dim3A_10 {add = true} : memref<4096xf32, #tpu.memory_space<vmem>>[vector<16xi32>], vector<16xf32>,
      %scan3A_897 = arith.constant 1 : i32
      %scan3A_898 = arith.addi %scan3A_889, %scan3A_897 : i32
      %mul3A_899 = arith.constant 16 : i32
      %mul3A_900 = arith.muli %scan3A_898, %mul3A_899 : i32
      %get3A_901 = arith.constant 0 : i32
      %get3A_902 = arith.index_cast %get3A_901 : i32 to index
      %get3A_903 = arith.index_cast %mul3A_900 : i32 to index
      %get3A_904 = tpu.vector_load %arg4[%get3A_902, %get3A_903] {strides = array<i32>} : memref<4x2048xi32, #tpu.memory_space<vmem>>, vector<16xi32>,
      %add3A_905 = arith.addi %get3A_904, %add3A_16 : vector<16xi32>
      tpu.vector_store_idx %arg5[%add3A_905], %broadcast_in_dim3A_10 {add = true} : memref<4096xf32, #tpu.memory_space<vmem>>[vector<16xi32>], vector<16xf32>,
      %scan3A_906 = arith.constant 2 : i32
      %scan3A_907 = arith.addi %scan3A_889, %scan3A_906 : i32
      %mul3A_908 = arith.constant 16 : i32
      %mul3A_909 = arith.muli %scan3A_907, %mul3A_908 : i32
      %get3A_910 = arith.constant 0 : i32
      %get3A_911 = arith.index_cast %get3A_910 : i32 to index
      %get3A_912 = arith.index_cast %mul3A_909 : i32 to index
      %get3A_913 = tpu.vector_load %arg4[%get3A_911, %get3A_912] {strides = array<i32>} : memref<4x2048xi32, #tpu.memory_space<vmem>>, vector<16xi32>,
      %add3A_914 = arith.addi %get3A_913, %add3A_16 : vector<16xi32>
      tpu.vector_store_idx %arg5[%add3A_914], %broadcast_in_dim3A_10 {add = true} : memref<4096xf32, #tpu.memory_space<vmem>>[vector<16xi32>], vector<16xf32>,
      %scan3A_915 = arith.constant 3 : i32
      %scan3A_916 = arith.addi %scan3A_889, %scan3A_915 : i32
      %mul3A_917 = arith.constant 16 : i32
      %mul3A_918 = arith.muli %scan3A_916, %mul3A_917 : i32
      %get3A_919 = arith.constant 0 : i32
      %get3A_920 = arith.index_cast %get3A_919 : i32 to index
      %get3A_921 = arith.index_cast %mul3A_918 : i32 to index
      %get3A_922 = tpu.vector_load %arg4[%get3A_920, %get3A_921] {strides = array<i32>} : memref<4x2048xi32, #tpu.memory_space<vmem>>, vector<16xi32>,
      %add3A_923 = arith.addi %get3A_922, %add3A_16 : vector<16xi32>
      tpu.vector_store_idx %arg5[%add3A_923], %broadcast_in_dim3A_10 {add = true} : memref<4096xf32, #tpu.memory_space<vmem>>[vector<16xi32>], vector<16xf32>,
      %scan3A_924 = arith.constant 4 : i32
      %scan3A_925 = arith.addi %scan3A_889, %scan3A_924 : i32
      %mul3A_926 = arith.constant 16 : i32
      %mul3A_927 = arith.muli %scan3A_925, %mul3A_926 : i32
      %get3A_928 = arith.constant 0 : i32
      %get3A_929 = arith.index_cast %get3A_928 : i32 to index
      %get3A_930 = arith.index_cast %mul3A_927 : i32 to index
      %get3A_931 = tpu.vector_load %arg4[%get3A_929, %get3A_930] {strides = array<i32>} : memref<4x2048xi32, #tpu.memory_space<vmem>>, vector<16xi32>,
      %add3A_932 = arith.addi %get3A_931, %add3A_16 : vector<16xi32>
      tpu.vector_store_idx %arg5[%add3A_932], %broadcast_in_dim3A_10 {add = true} : memref<4096xf32, #tpu.memory_space<vmem>>[vector<16xi32>], vector<16xf32>,
      %scan3A_933 = arith.constant 5 : i32
      %scan3A_934 = arith.addi %scan3A_889, %scan3A_933 : i32
      %mul3A_935 = arith.constant 16 : i32
      %mul3A_936 = arith.muli %scan3A_934, %mul3A_935 : i32
      %get3A_937 = arith.constant 0 : i32
      %get3A_938 = arith.index_cast %get3A_937 : i32 to index
      %get3A_939 = arith.index_cast %mul3A_936 : i32 to index
      %get3A_940 = tpu.vector_load %arg4[%get3A_938, %get3A_939] {strides = array<i32>} : memref<4x2048xi32, #tpu.memory_space<vmem>>, vector<16xi32>,
      %add3A_941 = arith.addi %get3A_940, %add3A_16 : vector<16xi32>
      tpu.vector_store_idx %arg5[%add3A_941], %broadcast_in_dim3A_10 {add = true} : memref<4096xf32, #tpu.memory_space<vmem>>[vector<16xi32>], vector<16xf32>,
      %scan3A_942 = arith.constant 6 : i32
      %scan3A_943 = arith.addi %scan3A_889, %scan3A_942 : i32
      %mul3A_944 = arith.constant 16 : i32
      %mul3A_945 = arith.muli %scan3A_943, %mul3A_944 : i32
      %get3A_946 = arith.constant 0 : i32
      %get3A_947 = arith.index_cast %get3A_946 : i32 to index
      %get3A_948 = arith.index_cast %mul3A_945 : i32 to index
      %get3A_949 = tpu.vector_load %arg4[%get3A_947, %get3A_948] {strides = array<i32>} : memref<4x2048xi32, #tpu.memory_space<vmem>>, vector<16xi32>,
      %add3A_950 = arith.addi %get3A_949, %add3A_16 : vector<16xi32>
      tpu.vector_store_idx %arg5[%add3A_950], %broadcast_in_dim3A_10 {add = true} : memref<4096xf32, #tpu.memory_space<vmem>>[vector<16xi32>], vector<16xf32>,
      %scan3A_951 = arith.constant 7 : i32
      %scan3A_952 = arith.addi %scan3A_889, %scan3A_951 : i32
      %mul3A_953 = arith.constant 16 : i32
      %mul3A_954 = arith.muli %scan3A_952, %mul3A_953 : i32
      %get3A_955 = arith.constant 0 : i32
      %get3A_956 = arith.index_cast %get3A_955 : i32 to index
      %get3A_957 = arith.index_cast %mul3A_954 : i32 to index
      %get3A_958 = tpu.vector_load %arg4[%get3A_956, %get3A_957] {strides = array<i32>} : memref<4x2048xi32, #tpu.memory_space<vmem>>, vector<16xi32>,
      %add3A_959 = arith.addi %get3A_958, %add3A_16 : vector<16xi32>
      tpu.vector_store_idx %arg5[%add3A_959], %broadcast_in_dim3A_10 {add = true} : memref<4096xf32, #tpu.memory_space<vmem>>[vector<16xi32>], vector<16xf32>,
    }
    %scan3A_22 = arith.constant 128 : i32
    %mul3A_23 = arith.constant 64 : i32
    %mul3A_24 = vector.broadcast %mul3A_23 : i32 to vector<16xi32>
    %mul3A_25 = arith.muli %iota3A, %mul3A_24 : vector<16xi32>
    %add3A_26 = arith.constant 1024 : i32
    %add3A_27 = vector.broadcast %add3A_26 : i32 to vector<16xi32>
    %add3A_28 = arith.addi %mul3A_25, %add3A_27 : vector<16xi32>
    %scan3A_29 = arith.constant 0 : i32
    %scan3A_30 = arith.constant 0 : i32
    %scan3A_31 = arith.constant 128 : i32
    %scan3A_32 = arith.addi %scan3A_30, %scan3A_31 : i32
    %scan3A_33 = arith.constant 8 : i32
    scf.for %scan3A_889 = %scan3A_30 to %scan3A_32 step %scan3A_33  : i32 {
      %mul3A_890 = arith.constant 16 : i32
      %mul3A_891 = arith.muli %scan3A_889, %mul3A_890 : i32
      %get3A_892 = arith.constant 1 : i32
      %get3A_893 = arith.index_cast %get3A_892 : i32 to index
      %get3A_894 = arith.index_cast %mul3A_891 : i32 to index
      %get3A_895 = tpu.vector_load %arg4[%get3A_893, %get3A_894] {strides = array<i32>} : memref<4x2048xi32, #tpu.memory_space<vmem>>, vector<16xi32>,
      %add3A_896 = arith.addi %get3A_895, %add3A_28 : vector<16xi32>
      tpu.vector_store_idx %arg5[%add3A_896], %broadcast_in_dim3A_10 {add = true} : memref<4096xf32, #tpu.memory_space<vmem>>[vector<16xi32>], vector<16xf32>,
      %scan3A_897 = arith.constant 1 : i32
      %scan3A_898 = arith.addi %scan3A_889, %scan3A_897 : i32
      %mul3A_899 = arith.constant 16 : i32
      %mul3A_900 = arith.muli %scan3A_898, %mul3A_899 : i32
      %get3A_901 = arith.constant 1 : i32
      %get3A_902 = arith.index_cast %get3A_901 : i32 to index
      %get3A_903 = arith.index_cast %mul3A_900 : i32 to index
      %get3A_904 = tpu.vector_load %arg4[%get3A_902, %get3A_903] {strides = array<i32>} : memref<4x2048xi32, #tpu.memory_space<vmem>>, vector<16xi32>,
      %add3A_905 = arith.addi %get3A_904, %add3A_28 : vector<16xi32>
      tpu.vector_store_idx %arg5[%add3A_905], %broadcast_in_dim3A_10 {add = true} : memref<4096xf32, #tpu.memory_space<vmem>>[vector<16xi32>], vector<16xf32>,
      %scan3A_906 = arith.constant 2 : i32
      %scan3A_907 = arith.addi %scan3A_889, %scan3A_906 : i32
      %mul3A_908 = arith.constant 16 : i32
      %mul3A_909 = arith.muli %scan3A_907, %mul3A_908 : i32
      %get3A_910 = arith.constant 1 : i32
      %get3A_911 = arith.index_cast %get3A_910 : i32 to index
      %get3A_912 = arith.index_cast %mul3A_909 : i32 to index
      %get3A_913 = tpu.vector_load %arg4[%get3A_911, %get3A_912] {strides = array<i32>} : memref<4x2048xi32, #tpu.memory_space<vmem>>, vector<16xi32>,
      %add3A_914 = arith.addi %get3A_913, %add3A_28 : vector<16xi32>
      tpu.vector_store_idx %arg5[%add3A_914], %broadcast_in_dim3A_10 {add = true} : memref<4096xf32, #tpu.memory_space<vmem>>[vector<16xi32>], vector<16xf32>,
      %scan3A_915 = arith.constant 3 : i32
      %scan3A_916 = arith.addi %scan3A_889, %scan3A_915 : i32
      %mul3A_917 = arith.constant 16 : i32
      %mul3A_918 = arith.muli %scan3A_916, %mul3A_917 : i32
      %get3A_919 = arith.constant 1 : i32
      %get3A_920 = arith.index_cast %get3A_919 : i32 to index
      %get3A_921 = arith.index_cast %mul3A_918 : i32 to index
      %get3A_922 = tpu.vector_load %arg4[%get3A_920, %get3A_921] {strides = array<i32>} : memref<4x2048xi32, #tpu.memory_space<vmem>>, vector<16xi32>,
      %add3A_923 = arith.addi %get3A_922, %add3A_28 : vector<16xi32>
      tpu.vector_store_idx %arg5[%add3A_923], %broadcast_in_dim3A_10 {add = true} : memref<4096xf32, #tpu.memory_space<vmem>>[vector<16xi32>], vector<16xf32>,
      %scan3A_924 = arith.constant 4 : i32
      %scan3A_925 = arith.addi %scan3A_889, %scan3A_924 : i32
      %mul3A_926 = arith.constant 16 : i32
      %mul3A_927 = arith.muli %scan3A_925, %mul3A_926 : i32
      %get3A_928 = arith.constant 1 : i32
      %get3A_929 = arith.index_cast %get3A_928 : i32 to index
      %get3A_930 = arith.index_cast %mul3A_927 : i32 to index
      %get3A_931 = tpu.vector_load %arg4[%get3A_929, %get3A_930] {strides = array<i32>} : memref<4x2048xi32, #tpu.memory_space<vmem>>, vector<16xi32>,
      %add3A_932 = arith.addi %get3A_931, %add3A_28 : vector<16xi32>
      tpu.vector_store_idx %arg5[%add3A_932], %broadcast_in_dim3A_10 {add = true} : memref<4096xf32, #tpu.memory_space<vmem>>[vector<16xi32>], vector<16xf32>,
      %scan3A_933 = arith.constant 5 : i32
      %scan3A_934 = arith.addi %scan3A_889, %scan3A_933 : i32
      %mul3A_935 = arith.constant 16 : i32
      %mul3A_936 = arith.muli %scan3A_934, %mul3A_935 : i32
      %get3A_937 = arith.constant 1 : i32
      %get3A_938 = arith.index_cast %get3A_937 : i32 to index
      %get3A_939 = arith.index_cast %mul3A_936 : i32 to index
      %get3A_940 = tpu.vector_load %arg4[%get3A_938, %get3A_939] {strides = array<i32>} : memref<4x2048xi32, #tpu.memory_space<vmem>>, vector<16xi32>,
      %add3A_941 = arith.addi %get3A_940, %add3A_28 : vector<16xi32>
      tpu.vector_store_idx %arg5[%add3A_941], %broadcast_in_dim3A_10 {add = true} : memref<4096xf32, #tpu.memory_space<vmem>>[vector<16xi32>], vector<16xf32>,
      %scan3A_942 = arith.constant 6 : i32
      %scan3A_943 = arith.addi %scan3A_889, %scan3A_942 : i32
      %mul3A_944 = arith.constant 16 : i32
      %mul3A_945 = arith.muli %scan3A_943, %mul3A_944 : i32
      %get3A_946 = arith.constant 1 : i32
      %get3A_947 = arith.index_cast %get3A_946 : i32 to index
      %get3A_948 = arith.index_cast %mul3A_945 : i32 to index
      %get3A_949 = tpu.vector_load %arg4[%get3A_947, %get3A_948] {strides = array<i32>} : memref<4x2048xi32, #tpu.memory_space<vmem>>, vector<16xi32>,
      %add3A_950 = arith.addi %get3A_949, %add3A_28 : vector<16xi32>
      tpu.vector_store_idx %arg5[%add3A_950], %broadcast_in_dim3A_10 {add = true} : memref<4096xf32, #tpu.memory_space<vmem>>[vector<16xi32>], vector<16xf32>,
      %scan3A_951 = arith.constant 7 : i32
      %scan3A_952 = arith.addi %scan3A_889, %scan3A_951 : i32
      %mul3A_953 = arith.constant 16 : i32
      %mul3A_954 = arith.muli %scan3A_952, %mul3A_953 : i32
      %get3A_955 = arith.constant 1 : i32
      %get3A_956 = arith.index_cast %get3A_955 : i32 to index
      %get3A_957 = arith.index_cast %mul3A_954 : i32 to index
      %get3A_958 = tpu.vector_load %arg4[%get3A_956, %get3A_957] {strides = array<i32>} : memref<4x2048xi32, #tpu.memory_space<vmem>>, vector<16xi32>,
      %add3A_959 = arith.addi %get3A_958, %add3A_28 : vector<16xi32>
      tpu.vector_store_idx %arg5[%add3A_959], %broadcast_in_dim3A_10 {add = true} : memref<4096xf32, #tpu.memory_space<vmem>>[vector<16xi32>], vector<16xf32>,
    }
    %scan3A_34 = arith.constant 128 : i32
    %mul3A_35 = arith.constant 64 : i32
    %mul3A_36 = vector.broadcast %mul3A_35 : i32 to vector<16xi32>
    %mul3A_37 = arith.muli %iota3A, %mul3A_36 : vector<16xi32>
    %add3A_38 = arith.constant 2048 : i32
    %add3A_39 = vector.broadcast %add3A_38 : i32 to vector<16xi32>
    %add3A_40 = arith.addi %mul3A_37, %add3A_39 : vector<16xi32>
    %scan3A_41 = arith.constant 0 : i32
    %scan3A_42 = arith.constant 0 : i32
    %scan3A_43 = arith.constant 128 : i32
    %scan3A_44 = arith.addi %scan3A_42, %scan3A_43 : i32
    %scan3A_45 = arith.constant 8 : i32
    scf.for %scan3A_889 = %scan3A_42 to %scan3A_44 step %scan3A_45  : i32 {
      %mul3A_890 = arith.constant 16 : i32
      %mul3A_891 = arith.muli %scan3A_889, %mul3A_890 : i32
      %get3A_892 = arith.constant 2 : i32
      %get3A_893 = arith.index_cast %get3A_892 : i32 to index
      %get3A_894 = arith.index_cast %mul3A_891 : i32 to index
      %get3A_895 = tpu.vector_load %arg4[%get3A_893, %get3A_894] {strides = array<i32>} : memref<4x2048xi32, #tpu.memory_space<vmem>>, vector<16xi32>,
      %add3A_896 = arith.addi %get3A_895, %add3A_40 : vector<16xi32>
      tpu.vector_store_idx %arg5[%add3A_896], %broadcast_in_dim3A_10 {add = true} : memref<4096xf32, #tpu.memory_space<vmem>>[vector<16xi32>], vector<16xf32>,
      %scan3A_897 = arith.constant 1 : i32
      %scan3A_898 = arith.addi %scan3A_889, %scan3A_897 : i32
      %mul3A_899 = arith.constant 16 : i32
      %mul3A_900 = arith.muli %scan3A_898, %mul3A_899 : i32
      %get3A_901 = arith.constant 2 : i32
      %get3A_902 = arith.index_cast %get3A_901 : i32 to index
      %get3A_903 = arith.index_cast %mul3A_900 : i32 to index
      %get3A_904 = tpu.vector_load %arg4[%get3A_902, %get3A_903] {strides = array<i32>} : memref<4x2048xi32, #tpu.memory_space<vmem>>, vector<16xi32>,
      %add3A_905 = arith.addi %get3A_904, %add3A_40 : vector<16xi32>
      tpu.vector_store_idx %arg5[%add3A_905], %broadcast_in_dim3A_10 {add = true} : memref<4096xf32, #tpu.memory_space<vmem>>[vector<16xi32>], vector<16xf32>,
      %scan3A_906 = arith.constant 2 : i32
      %scan3A_907 = arith.addi %scan3A_889, %scan3A_906 : i32
      %mul3A_908 = arith.constant 16 : i32
      %mul3A_909 = arith.muli %scan3A_907, %mul3A_908 : i32
      %get3A_910 = arith.constant 2 : i32
      %get3A_911 = arith.index_cast %get3A_910 : i32 to index
      %get3A_912 = arith.index_cast %mul3A_909 : i32 to index
      %get3A_913 = tpu.vector_load %arg4[%get3A_911, %get3A_912] {strides = array<i32>} : memref<4x2048xi32, #tpu.memory_space<vmem>>, vector<16xi32>,
      %add3A_914 = arith.addi %get3A_913, %add3A_40 : vector<16xi32>
      tpu.vector_store_idx %arg5[%add3A_914], %broadcast_in_dim3A_10 {add = true} : memref<4096xf32, #tpu.memory_space<vmem>>[vector<16xi32>], vector<16xf32>,
      %scan3A_915 = arith.constant 3 : i32
      %scan3A_916 = arith.addi %scan3A_889, %scan3A_915 : i32
      %mul3A_917 = arith.constant 16 : i32
      %mul3A_918 = arith.muli %scan3A_916, %mul3A_917 : i32
      %get3A_919 = arith.constant 2 : i32
      %get3A_920 = arith.index_cast %get3A_919 : i32 to index
      %get3A_921 = arith.index_cast %mul3A_918 : i32 to index
      %get3A_922 = tpu.vector_load %arg4[%get3A_920, %get3A_921] {strides = array<i32>} : memref<4x2048xi32, #tpu.memory_space<vmem>>, vector<16xi32>,
      %add3A_923 = arith.addi %get3A_922, %add3A_40 : vector<16xi32>
      tpu.vector_store_idx %arg5[%add3A_923], %broadcast_in_dim3A_10 {add = true} : memref<4096xf32, #tpu.memory_space<vmem>>[vector<16xi32>], vector<16xf32>,
      %scan3A_924 = arith.constant 4 : i32
      %scan3A_925 = arith.addi %scan3A_889, %scan3A_924 : i32
      %mul3A_926 = arith.constant 16 : i32
      %mul3A_927 = arith.muli %scan3A_925, %mul3A_926 : i32
      %get3A_928 = arith.constant 2 : i32
      %get3A_929 = arith.index_cast %get3A_928 : i32 to index
      %get3A_930 = arith.index_cast %mul3A_927 : i32 to index
      %get3A_931 = tpu.vector_load %arg4[%get3A_929, %get3A_930] {strides = array<i32>} : memref<4x2048xi32, #tpu.memory_space<vmem>>, vector<16xi32>,
      %add3A_932 = arith.addi %get3A_931, %add3A_40 : vector<16xi32>
      tpu.vector_store_idx %arg5[%add3A_932], %broadcast_in_dim3A_10 {add = true} : memref<4096xf32, #tpu.memory_space<vmem>>[vector<16xi32>], vector<16xf32>,
      %scan3A_933 = arith.constant 5 : i32
      %scan3A_934 = arith.addi %scan3A_889, %scan3A_933 : i32
      %mul3A_935 = arith.constant 16 : i32
      %mul3A_936 = arith.muli %scan3A_934, %mul3A_935 : i32
      %get3A_937 = arith.constant 2 : i32
      %get3A_938 = arith.index_cast %get3A_937 : i32 to index
      %get3A_939 = arith.index_cast %mul3A_936 : i32 to index
      %get3A_940 = tpu.vector_load %arg4[%get3A_938, %get3A_939] {strides = array<i32>} : memref<4x2048xi32, #tpu.memory_space<vmem>>, vector<16xi32>,
      %add3A_941 = arith.addi %get3A_940, %add3A_40 : vector<16xi32>
      tpu.vector_store_idx %arg5[%add3A_941], %broadcast_in_dim3A_10 {add = true} : memref<4096xf32, #tpu.memory_space<vmem>>[vector<16xi32>], vector<16xf32>,
      %scan3A_942 = arith.constant 6 : i32
      %scan3A_943 = arith.addi %scan3A_889, %scan3A_942 : i32
      %mul3A_944 = arith.constant 16 : i32
      %mul3A_945 = arith.muli %scan3A_943, %mul3A_944 : i32
      %get3A_946 = arith.constant 2 : i32
      %get3A_947 = arith.index_cast %get3A_946 : i32 to index
      %get3A_948 = arith.index_cast %mul3A_945 : i32 to index
      %get3A_949 = tpu.vector_load %arg4[%get3A_947, %get3A_948] {strides = array<i32>} : memref<4x2048xi32, #tpu.memory_space<vmem>>, vector<16xi32>,
      %add3A_950 = arith.addi %get3A_949, %add3A_40 : vector<16xi32>
      tpu.vector_store_idx %arg5[%add3A_950], %broadcast_in_dim3A_10 {add = true} : memref<4096xf32, #tpu.memory_space<vmem>>[vector<16xi32>], vector<16xf32>,
      %scan3A_951 = arith.constant 7 : i32
      %scan3A_952 = arith.addi %scan3A_889, %scan3A_951 : i32
      %mul3A_953 = arith.constant 16 : i32
      %mul3A_954 = arith.muli %scan3A_952, %mul3A_953 : i32
      %get3A_955 = arith.constant 2 : i32
      %get3A_956 = arith.index_cast %get3A_955 : i32 to index
      %get3A_957 = arith.index_cast %mul3A_954 : i32 to index
      %get3A_958 = tpu.vector_load %arg4[%get3A_956, %get3A_957] {strides = array<i32>} : memref<4x2048xi32, #tpu.memory_space<vmem>>, vector<16xi32>,
      %add3A_959 = arith.addi %get3A_958, %add3A_40 : vector<16xi32>
      tpu.vector_store_idx %arg5[%add3A_959], %broadcast_in_dim3A_10 {add = true} : memref<4096xf32, #tpu.memory_space<vmem>>[vector<16xi32>], vector<16xf32>,
    }
    %scan3A_46 = arith.constant 128 : i32
    %mul3A_47 = arith.constant 64 : i32
    %mul3A_48 = vector.broadcast %mul3A_47 : i32 to vector<16xi32>
    %mul3A_49 = arith.muli %iota3A, %mul3A_48 : vector<16xi32>
    %add3A_50 = arith.constant 3072 : i32
    %add3A_51 = vector.broadcast %add3A_50 : i32 to vector<16xi32>
    %add3A_52 = arith.addi %mul3A_49, %add3A_51 : vector<16xi32>
    %scan3A_53 = arith.constant 0 : i32
    %scan3A_54 = arith.constant 0 : i32
    %scan3A_55 = arith.constant 128 : i32
    %scan3A_56 = arith.addi %scan3A_54, %scan3A_55 : i32
    %scan3A_57 = arith.constant 8 : i32
    scf.for %scan3A_889 = %scan3A_54 to %scan3A_56 step %scan3A_57  : i32 {
      %mul3A_890 = arith.constant 16 : i32
      %mul3A_891 = arith.muli %scan3A_889, %mul3A_890 : i32
      %get3A_892 = arith.constant 3 : i32
      %get3A_893 = arith.index_cast %get3A_892 : i32 to index
      %get3A_894 = arith.index_cast %mul3A_891 : i32 to index
      %get3A_895 = tpu.vector_load %arg4[%get3A_893, %get3A_894] {strides = array<i32>} : memref<4x2048xi32, #tpu.memory_space<vmem>>, vector<16xi32>,
      %add3A_896 = arith.addi %get3A_895, %add3A_52 : vector<16xi32>
      tpu.vector_store_idx %arg5[%add3A_896], %broadcast_in_dim3A_10 {add = true} : memref<4096xf32, #tpu.memory_space<vmem>>[vector<16xi32>], vector<16xf32>,
      %scan3A_897 = arith.constant 1 : i32
      %scan3A_898 = arith.addi %scan3A_889, %scan3A_897 : i32
      %mul3A_899 = arith.constant 16 : i32
      %mul3A_900 = arith.muli %scan3A_898, %mul3A_899 : i32
      %get3A_901 = arith.constant 3 : i32
      %get3A_902 = arith.index_cast %get3A_901 : i32 to index
      %get3A_903 = arith.index_cast %mul3A_900 : i32 to index
      %get3A_904 = tpu.vector_load %arg4[%get3A_902, %get3A_903] {strides = array<i32>} : memref<4x2048xi32, #tpu.memory_space<vmem>>, vector<16xi32>,
      %add3A_905 = arith.addi %get3A_904, %add3A_52 : vector<16xi32>
      tpu.vector_store_idx %arg5[%add3A_905], %broadcast_in_dim3A_10 {add = true} : memref<4096xf32, #tpu.memory_space<vmem>>[vector<16xi32>], vector<16xf32>,
      %scan3A_906 = arith.constant 2 : i32
      %scan3A_907 = arith.addi %scan3A_889, %scan3A_906 : i32
      %mul3A_908 = arith.constant 16 : i32
      %mul3A_909 = arith.muli %scan3A_907, %mul3A_908 : i32
      %get3A_910 = arith.constant 3 : i32
      %get3A_911 = arith.index_cast %get3A_910 : i32 to index
      %get3A_912 = arith.index_cast %mul3A_909 : i32 to index
      %get3A_913 = tpu.vector_load %arg4[%get3A_911, %get3A_912] {strides = array<i32>} : memref<4x2048xi32, #tpu.memory_space<vmem>>, vector<16xi32>,
      %add3A_914 = arith.addi %get3A_913, %add3A_52 : vector<16xi32>
      tpu.vector_store_idx %arg5[%add3A_914], %broadcast_in_dim3A_10 {add = true} : memref<4096xf32, #tpu.memory_space<vmem>>[vector<16xi32>], vector<16xf32>,
      %scan3A_915 = arith.constant 3 : i32
      %scan3A_916 = arith.addi %scan3A_889, %scan3A_915 : i32
      %mul3A_917 = arith.constant 16 : i32
      %mul3A_918 = arith.muli %scan3A_916, %mul3A_917 : i32
      %get3A_919 = arith.constant 3 : i32
      %get3A_920 = arith.index_cast %get3A_919 : i32 to index
      %get3A_921 = arith.index_cast %mul3A_918 : i32 to index
      %get3A_922 = tpu.vector_load %arg4[%get3A_920, %get3A_921] {strides = array<i32>} : memref<4x2048xi32, #tpu.memory_space<vmem>>, vector<16xi32>,
      %add3A_923 = arith.addi %get3A_922, %add3A_52 : vector<16xi32>
      tpu.vector_store_idx %arg5[%add3A_923], %broadcast_in_dim3A_10 {add = true} : memref<4096xf32, #tpu.memory_space<vmem>>[vector<16xi32>], vector<16xf32>,
      %scan3A_924 = arith.constant 4 : i32
      %scan3A_925 = arith.addi %scan3A_889, %scan3A_924 : i32
      %mul3A_926 = arith.constant 16 : i32
      %mul3A_927 = arith.muli %scan3A_925, %mul3A_926 : i32
      %get3A_928 = arith.constant 3 : i32
      %get3A_929 = arith.index_cast %get3A_928 : i32 to index
      %get3A_930 = arith.index_cast %mul3A_927 : i32 to index
      %get3A_931 = tpu.vector_load %arg4[%get3A_929, %get3A_930] {strides = array<i32>} : memref<4x2048xi32, #tpu.memory_space<vmem>>, vector<16xi32>,
      %add3A_932 = arith.addi %get3A_931, %add3A_52 : vector<16xi32>
      tpu.vector_store_idx %arg5[%add3A_932], %broadcast_in_dim3A_10 {add = true} : memref<4096xf32, #tpu.memory_space<vmem>>[vector<16xi32>], vector<16xf32>,
      %scan3A_933 = arith.constant 5 : i32
      %scan3A_934 = arith.addi %scan3A_889, %scan3A_933 : i32
      %mul3A_935 = arith.constant 16 : i32
      %mul3A_936 = arith.muli %scan3A_934, %mul3A_935 : i32
      %get3A_937 = arith.constant 3 : i32
      %get3A_938 = arith.index_cast %get3A_937 : i32 to index
      %get3A_939 = arith.index_cast %mul3A_936 : i32 to index
      %get3A_940 = tpu.vector_load %arg4[%get3A_938, %get3A_939] {strides = array<i32>} : memref<4x2048xi32, #tpu.memory_space<vmem>>, vector<16xi32>,
      %add3A_941 = arith.addi %get3A_940, %add3A_52 : vector<16xi32>
      tpu.vector_store_idx %arg5[%add3A_941], %broadcast_in_dim3A_10 {add = true} : memref<4096xf32, #tpu.memory_space<vmem>>[vector<16xi32>], vector<16xf32>,
      %scan3A_942 = arith.constant 6 : i32
      %scan3A_943 = arith.addi %scan3A_889, %scan3A_942 : i32
      %mul3A_944 = arith.constant 16 : i32
      %mul3A_945 = arith.muli %scan3A_943, %mul3A_944 : i32
      %get3A_946 = arith.constant 3 : i32
      %get3A_947 = arith.index_cast %get3A_946 : i32 to index
      %get3A_948 = arith.index_cast %mul3A_945 : i32 to index
      %get3A_949 = tpu.vector_load %arg4[%get3A_947, %get3A_948] {strides = array<i32>} : memref<4x2048xi32, #tpu.memory_space<vmem>>, vector<16xi32>,
      %add3A_950 = arith.addi %get3A_949, %add3A_52 : vector<16xi32>
      tpu.vector_store_idx %arg5[%add3A_950], %broadcast_in_dim3A_10 {add = true} : memref<4096xf32, #tpu.memory_space<vmem>>[vector<16xi32>], vector<16xf32>,
      %scan3A_951 = arith.constant 7 : i32
      %scan3A_952 = arith.addi %scan3A_889, %scan3A_951 : i32
      %mul3A_953 = arith.constant 16 : i32
      %mul3A_954 = arith.muli %scan3A_952, %mul3A_953 : i32
      %get3A_955 = arith.constant 3 : i32
      %get3A_956 = arith.index_cast %get3A_955 : i32 to index
      %get3A_957 = arith.index_cast %mul3A_954 : i32 to index
      %get3A_958 = tpu.vector_load %arg4[%get3A_956, %get3A_957] {strides = array<i32>} : memref<4x2048xi32, #tpu.memory_space<vmem>>, vector<16xi32>,
      %add3A_959 = arith.addi %get3A_958, %add3A_52 : vector<16xi32>
      tpu.vector_store_idx %arg5[%add3A_959], %broadcast_in_dim3A_10 {add = true} : memref<4096xf32, #tpu.memory_space<vmem>>[vector<16xi32>], vector<16xf32>,
    }
    %scan3A_58 = arith.constant 128 : i32
    %get3A = arith.constant 0 : index
    %get3A_59 = tpu.vector_load %arg5[%get3A] {strides = array<i32>} : memref<4096xf32, #tpu.memory_space<vmem>>, vector<16xf32>,
    %add3A_60 = arith.addf %broadcast_in_dim3A_3, %get3A_59 : vector<16xf32>
    %get3A_61 = arith.constant 64 : index
    %get3A_62 = tpu.vector_load %arg5[%get3A_61] {strides = array<i32>} : memref<4096xf32, #tpu.memory_space<vmem>>, vector<16xf32>,
    %add3A_63 = arith.addf %add3A_60, %get3A_62 : vector<16xf32>
    %get3A_64 = arith.constant 128 : index
    %get3A_65 = tpu.vector_load %arg5[%get3A_64] {strides = array<i32>} : memref<4096xf32, #tpu.memory_space<vmem>>, vector<16xf32>,
    %add3A_66 = arith.addf %add3A_63, %get3A_65 : vector<16xf32>
    %get3A_67 = arith.constant 192 : index
    %get3A_68 = tpu.vector_load %arg5[%get3A_67] {strides = array<i32>} : memref<4096xf32, #tpu.memory_space<vmem>>, vector<16xf32>,
    %add3A_69 = arith.addf %add3A_66, %get3A_68 : vector<16xf32>
    %get3A_70 = arith.constant 256 : index
    %get3A_71 = tpu.vector_load %arg5[%get3A_70] {strides = array<i32>} : memref<4096xf32, #tpu.memory_space<vmem>>, vector<16xf32>,
    %add3A_72 = arith.addf %add3A_69, %get3A_71 : vector<16xf32>
    %get3A_73 = arith.constant 320 : index
    %get3A_74 = tpu.vector_load %arg5[%get3A_73] {strides = array<i32>} : memref<4096xf32, #tpu.memory_space<vmem>>, vector<16xf32>,
    %add3A_75 = arith.addf %add3A_72, %get3A_74 : vector<16xf32>
    %get3A_76 = arith.constant 384 : index
    %get3A_77 = tpu.vector_load %arg5[%get3A_76] {strides = array<i32>} : memref<4096xf32, #tpu.memory_space<vmem>>, vector<16xf32>,
    %add3A_78 = arith.addf %add3A_75, %get3A_77 : vector<16xf32>
    %get3A_79 = arith.constant 448 : index
    %get3A_80 = tpu.vector_load %arg5[%get3A_79] {strides = array<i32>} : memref<4096xf32, #tpu.memory_space<vmem>>, vector<16xf32>,
    %add3A_81 = arith.addf %add3A_78, %get3A_80 : vector<16xf32>
    %get3A_82 = arith.constant 512 : index
    %get3A_83 = tpu.vector_load %arg5[%get3A_82] {strides = array<i32>} : memref<4096xf32, #tpu.memory_space<vmem>>, vector<16xf32>,
    %add3A_84 = arith.addf %add3A_81, %get3A_83 : vector<16xf32>
    %get3A_85 = arith.constant 576 : index
    %get3A_86 = tpu.vector_load %arg5[%get3A_85] {strides = array<i32>} : memref<4096xf32, #tpu.memory_space<vmem>>, vector<16xf32>,
    %add3A_87 = arith.addf %add3A_84, %get3A_86 : vector<16xf32>
    %get3A_88 = arith.constant 640 : index
    %get3A_89 = tpu.vector_load %arg5[%get3A_88] {strides = array<i32>} : memref<4096xf32, #tpu.memory_space<vmem>>, vector<16xf32>,
    %add3A_90 = arith.addf %add3A_87, %get3A_89 : vector<16xf32>
    %get3A_91 = arith.constant 704 : index
    %get3A_92 = tpu.vector_load %arg5[%get3A_91] {strides = array<i32>} : memref<4096xf32, #tpu.memory_space<vmem>>, vector<16xf32>,
    %add3A_93 = arith.addf %add3A_90, %get3A_92 : vector<16xf32>
    %get3A_94 = arith.constant 768 : index
    %get3A_95 = tpu.vector_load %arg5[%get3A_94] {strides = array<i32>} : memref<4096xf32, #tpu.memory_space<vmem>>, vector<16xf32>,
    %add3A_96 = arith.addf %add3A_93, %get3A_95 : vector<16xf32>
    %get3A_97 = arith.constant 832 : index
    %get3A_98 = tpu.vector_load %arg5[%get3A_97] {strides = array<i32>} : memref<4096xf32, #tpu.memory_space<vmem>>, vector<16xf32>,
    %add3A_99 = arith.addf %add3A_96, %get3A_98 : vector<16xf32>
    %get3A_100 = arith.constant 896 : index
    %get3A_101 = tpu.vector_load %arg5[%get3A_100] {strides = array<i32>} : memref<4096xf32, #tpu.memory_space<vmem>>, vector<16xf32>,
    %add3A_102 = arith.addf %add3A_99, %get3A_101 : vector<16xf32>
    %get3A_103 = arith.constant 960 : index
    %get3A_104 = tpu.vector_load %arg5[%get3A_103] {strides = array<i32>} : memref<4096xf32, #tpu.memory_space<vmem>>, vector<16xf32>,
    %add3A_105 = arith.addf %add3A_102, %get3A_104 : vector<16xf32>
    %swap3A = arith.constant 0 : i32
    %swap3A_106 = arith.index_cast %swap3A : i32 to index
    %swap3A_107 = arith.constant 0 : index
    %swap3A_108 = tpu.vector_load %arg6[%swap3A_106, %swap3A_107] {strides = array<i32>} : memref<4x64xf32, #tpu.memory_space<vmem>>, vector<16xf32>,
    tpu.vector_store %arg6[%swap3A_106, %swap3A_107], %add3A_105 {strides = array<i32>} : memref<4x64xf32, #tpu.memory_space<vmem>>, vector<16xf32>,
    %get3A_109 = arith.constant 16 : index
    %get3A_110 = tpu.vector_load %arg5[%get3A_109] {strides = array<i32>} : memref<4096xf32, #tpu.memory_space<vmem>>, vector<16xf32>,
    %add3A_111 = arith.addf %broadcast_in_dim3A_3, %get3A_110 : vector<16xf32>
    %get3A_112 = arith.constant 80 : index
    %get3A_113 = tpu.vector_load %arg5[%get3A_112] {strides = array<i32>} : memref<4096xf32, #tpu.memory_space<vmem>>, vector<16xf32>,
    %add3A_114 = arith.addf %add3A_111, %get3A_113 : vector<16xf32>
    %get3A_115 = arith.constant 144 : index
    %get3A_116 = tpu.vector_load %arg5[%get3A_115] {strides = array<i32>} : memref<4096xf32, #tpu.memory_space<vmem>>, vector<16xf32>,
    %add3A_117 = arith.addf %add3A_114, %get3A_116 : vector<16xf32>
    %get3A_118 = arith.constant 208 : index
    %get3A_119 = tpu.vector_load %arg5[%get3A_118] {strides = array<i32>} : memref<4096xf32, #tpu.memory_space<vmem>>, vector<16xf32>,
    %add3A_120 = arith.addf %add3A_117, %get3A_119 : vector<16xf32>
    %get3A_121 = arith.constant 272 : index
    %get3A_122 = tpu.vector_load %arg5[%get3A_121] {strides = array<i32>} : memref<4096xf32, #tpu.memory_space<vmem>>, vector<16xf32>,
    %add3A_123 = arith.addf %add3A_120, %get3A_122 : vector<16xf32>
    %get3A_124 = arith.constant 336 : index
    %get3A_125 = tpu.vector_load %arg5[%get3A_124] {strides = array<i32>} : memref<4096xf32, #tpu.memory_space<vmem>>, vector<16xf32>,
    %add3A_126 = arith.addf %add3A_123, %get3A_125 : vector<16xf32>
    %get3A_127 = arith.constant 400 : index
    %get3A_128 = tpu.vector_load %arg5[%get3A_127] {strides = array<i32>} : memref<4096xf32, #tpu.memory_space<vmem>>, vector<16xf32>,
    %add3A_129 = arith.addf %add3A_126, %get3A_128 : vector<16xf32>
    %get3A_130 = arith.constant 464 : index
    %get3A_131 = tpu.vector_load %arg5[%get3A_130] {strides = array<i32>} : memref<4096xf32, #tpu.memory_space<vmem>>, vector<16xf32>,
    %add3A_132 = arith.addf %add3A_129, %get3A_131 : vector<16xf32>
    %get3A_133 = arith.constant 528 : index
    %get3A_134 = tpu.vector_load %arg5[%get3A_133] {strides = array<i32>} : memref<4096xf32, #tpu.memory_space<vmem>>, vector<16xf32>,
    %add3A_135 = arith.addf %add3A_132, %get3A_134 : vector<16xf32>
    %get3A_136 = arith.constant 592 : index
    %get3A_137 = tpu.vector_load %arg5[%get3A_136] {strides = array<i32>} : memref<4096xf32, #tpu.memory_space<vmem>>, vector<16xf32>,
    %add3A_138 = arith.addf %add3A_135, %get3A_137 : vector<16xf32>
    %get3A_139 = arith.constant 656 : index
    %get3A_140 = tpu.vector_load %arg5[%get3A_139] {strides = array<i32>} : memref<4096xf32, #tpu.memory_space<vmem>>, vector<16xf32>,
    %add3A_141 = arith.addf %add3A_138, %get3A_140 : vector<16xf32>
    %get3A_142 = arith.constant 720 : index
    %get3A_143 = tpu.vector_load %arg5[%get3A_142] {strides = array<i32>} : memref<4096xf32, #tpu.memory_space<vmem>>, vector<16xf32>,
    %add3A_144 = arith.addf %add3A_141, %get3A_143 : vector<16xf32>
    %get3A_145 = arith.constant 784 : index
    %get3A_146 = tpu.vector_load %arg5[%get3A_145] {strides = array<i32>} : memref<4096xf32, #tpu.memory_space<vmem>>, vector<16xf32>,
    %add3A_147 = arith.addf %add3A_144, %get3A_146 : vector<16xf32>
    %get3A_148 = arith.constant 848 : index
    %get3A_149 = tpu.vector_load %arg5[%get3A_148] {strides = array<i32>} : memref<4096xf32, #tpu.memory_space<vmem>>, vector<16xf32>,
    %add3A_150 = arith.addf %add3A_147, %get3A_149 : vector<16xf32>
    %get3A_151 = arith.constant 912 : index
    %get3A_152 = tpu.vector_load %arg5[%get3A_151] {strides = array<i32>} : memref<4096xf32, #tpu.memory_space<vmem>>, vector<16xf32>,
    %add3A_153 = arith.addf %add3A_150, %get3A_152 : vector<16xf32>
    %get3A_154 = arith.constant 976 : index
    %get3A_155 = tpu.vector_load %arg5[%get3A_154] {strides = array<i32>} : memref<4096xf32, #tpu.memory_space<vmem>>, vector<16xf32>,
    %add3A_156 = arith.addf %add3A_153, %get3A_155 : vector<16xf32>
    %swap3A_157 = arith.constant 0 : i32
    %swap3A_158 = arith.index_cast %swap3A_157 : i32 to index
    %swap3A_159 = arith.constant 16 : index
    %swap3A_160 = tpu.vector_load %arg6[%swap3A_158, %swap3A_159] {strides = array<i32>} : memref<4x64xf32, #tpu.memory_space<vmem>>, vector<16xf32>,
    tpu.vector_store %arg6[%swap3A_158, %swap3A_159], %add3A_156 {strides = array<i32>} : memref<4x64xf32, #tpu.memory_space<vmem>>, vector<16xf32>,
    %get3A_161 = arith.constant 32 : index
    %get3A_162 = tpu.vector_load %arg5[%get3A_161] {strides = array<i32>} : memref<4096xf32, #tpu.memory_space<vmem>>, vector<16xf32>,
    %add3A_163 = arith.addf %broadcast_in_dim3A_3, %get3A_162 : vector<16xf32>
    %get3A_164 = arith.constant 96 : index
    %get3A_165 = tpu.vector_load %arg5[%get3A_164] {strides = array<i32>} : memref<4096xf32, #tpu.memory_space<vmem>>, vector<16xf32>,
    %add3A_166 = arith.addf %add3A_163, %get3A_165 : vector<16xf32>
    %get3A_167 = arith.constant 160 : index
    %get3A_168 = tpu.vector_load %arg5[%get3A_167] {strides = array<i32>} : memref<4096xf32, #tpu.memory_space<vmem>>, vector<16xf32>,
    %add3A_169 = arith.addf %add3A_166, %get3A_168 : vector<16xf32>
    %get3A_170 = arith.constant 224 : index
    %get3A_171 = tpu.vector_load %arg5[%get3A_170] {strides = array<i32>} : memref<4096xf32, #tpu.memory_space<vmem>>, vector<16xf32>,
    %add3A_172 = arith.addf %add3A_169, %get3A_171 : vector<16xf32>
    %get3A_173 = arith.constant 288 : index
    %get3A_174 = tpu.vector_load %arg5[%get3A_173] {strides = array<i32>} : memref<4096xf32, #tpu.memory_space<vmem>>, vector<16xf32>,
    %add3A_175 = arith.addf %add3A_172, %get3A_174 : vector<16xf32>
    %get3A_176 = arith.constant 352 : index
    %get3A_177 = tpu.vector_load %arg5[%get3A_176] {strides = array<i32>} : memref<4096xf32, #tpu.memory_space<vmem>>, vector<16xf32>,
    %add3A_178 = arith.addf %add3A_175, %get3A_177 : vector<16xf32>
    %get3A_179 = arith.constant 416 : index
    %get3A_180 = tpu.vector_load %arg5[%get3A_179] {strides = array<i32>} : memref<4096xf32, #tpu.memory_space<vmem>>, vector<16xf32>,
    %add3A_181 = arith.addf %add3A_178, %get3A_180 : vector<16xf32>
    %get3A_182 = arith.constant 480 : index
    %get3A_183 = tpu.vector_load %arg5[%get3A_182] {strides = array<i32>} : memref<4096xf32, #tpu.memory_space<vmem>>, vector<16xf32>,
    %add3A_184 = arith.addf %add3A_181, %get3A_183 : vector<16xf32>
    %get3A_185 = arith.constant 544 : index
    %get3A_186 = tpu.vector_load %arg5[%get3A_185] {strides = array<i32>} : memref<4096xf32, #tpu.memory_space<vmem>>, vector<16xf32>,
    %add3A_187 = arith.addf %add3A_184, %get3A_186 : vector<16xf32>
    %get3A_188 = arith.constant 608 : index
    %get3A_189 = tpu.vector_load %arg5[%get3A_188] {strides = array<i32>} : memref<4096xf32, #tpu.memory_space<vmem>>, vector<16xf32>,
    %add3A_190 = arith.addf %add3A_187, %get3A_189 : vector<16xf32>
    %get3A_191 = arith.constant 672 : index
    %get3A_192 = tpu.vector_load %arg5[%get3A_191] {strides = array<i32>} : memref<4096xf32, #tpu.memory_space<vmem>>, vector<16xf32>,
    %add3A_193 = arith.addf %add3A_190, %get3A_192 : vector<16xf32>
    %get3A_194 = arith.constant 736 : index
    %get3A_195 = tpu.vector_load %arg5[%get3A_194] {strides = array<i32>} : memref<4096xf32, #tpu.memory_space<vmem>>, vector<16xf32>,
    %add3A_196 = arith.addf %add3A_193, %get3A_195 : vector<16xf32>
    %get3A_197 = arith.constant 800 : index
    %get3A_198 = tpu.vector_load %arg5[%get3A_197] {strides = array<i32>} : memref<4096xf32, #tpu.memory_space<vmem>>, vector<16xf32>,
    %add3A_199 = arith.addf %add3A_196, %get3A_198 : vector<16xf32>
    %get3A_200 = arith.constant 864 : index
    %get3A_201 = tpu.vector_load %arg5[%get3A_200] {strides = array<i32>} : memref<4096xf32, #tpu.memory_space<vmem>>, vector<16xf32>,
    %add3A_202 = arith.addf %add3A_199, %get3A_201 : vector<16xf32>
    %get3A_203 = arith.constant 928 : index
    %get3A_204 = tpu.vector_load %arg5[%get3A_203] {strides = array<i32>} : memref<4096xf32, #tpu.memory_space<vmem>>, vector<16xf32>,
    %add3A_205 = arith.addf %add3A_202, %get3A_204 : vector<16xf32>
    %get3A_206 = arith.constant 992 : index
    %get3A_207 = tpu.vector_load %arg5[%get3A_206] {strides = array<i32>} : memref<4096xf32, #tpu.memory_space<vmem>>, vector<16xf32>,
    %add3A_208 = arith.addf %add3A_205, %get3A_207 : vector<16xf32>
    %swap3A_209 = arith.constant 0 : i32
    %swap3A_210 = arith.index_cast %swap3A_209 : i32 to index
    %swap3A_211 = arith.constant 32 : index
    %swap3A_212 = tpu.vector_load %arg6[%swap3A_210, %swap3A_211] {strides = array<i32>} : memref<4x64xf32, #tpu.memory_space<vmem>>, vector<16xf32>,
    tpu.vector_store %arg6[%swap3A_210, %swap3A_211], %add3A_208 {strides = array<i32>} : memref<4x64xf32, #tpu.memory_space<vmem>>, vector<16xf32>,
    %get3A_213 = arith.constant 48 : index
    %get3A_214 = tpu.vector_load %arg5[%get3A_213] {strides = array<i32>} : memref<4096xf32, #tpu.memory_space<vmem>>, vector<16xf32>,
    %add3A_215 = arith.addf %broadcast_in_dim3A_3, %get3A_214 : vector<16xf32>
    %get3A_216 = arith.constant 112 : index
    %get3A_217 = tpu.vector_load %arg5[%get3A_216] {strides = array<i32>} : memref<4096xf32, #tpu.memory_space<vmem>>, vector<16xf32>,
    %add3A_218 = arith.addf %add3A_215, %get3A_217 : vector<16xf32>
    %get3A_219 = arith.constant 176 : index
    %get3A_220 = tpu.vector_load %arg5[%get3A_219] {strides = array<i32>} : memref<4096xf32, #tpu.memory_space<vmem>>, vector<16xf32>,
    %add3A_221 = arith.addf %add3A_218, %get3A_220 : vector<16xf32>
    %get3A_222 = arith.constant 240 : index
    %get3A_223 = tpu.vector_load %arg5[%get3A_222] {strides = array<i32>} : memref<4096xf32, #tpu.memory_space<vmem>>, vector<16xf32>,
    %add3A_224 = arith.addf %add3A_221, %get3A_223 : vector<16xf32>
    %get3A_225 = arith.constant 304 : index
    %get3A_226 = tpu.vector_load %arg5[%get3A_225] {strides = array<i32>} : memref<4096xf32, #tpu.memory_space<vmem>>, vector<16xf32>,
    %add3A_227 = arith.addf %add3A_224, %get3A_226 : vector<16xf32>
    %get3A_228 = arith.constant 368 : index
    %get3A_229 = tpu.vector_load %arg5[%get3A_228] {strides = array<i32>} : memref<4096xf32, #tpu.memory_space<vmem>>, vector<16xf32>,
    %add3A_230 = arith.addf %add3A_227, %get3A_229 : vector<16xf32>
    %get3A_231 = arith.constant 432 : index
    %get3A_232 = tpu.vector_load %arg5[%get3A_231] {strides = array<i32>} : memref<4096xf32, #tpu.memory_space<vmem>>, vector<16xf32>,
    %add3A_233 = arith.addf %add3A_230, %get3A_232 : vector<16xf32>
    %get3A_234 = arith.constant 496 : index
    %get3A_235 = tpu.vector_load %arg5[%get3A_234] {strides = array<i32>} : memref<4096xf32, #tpu.memory_space<vmem>>, vector<16xf32>,
    %add3A_236 = arith.addf %add3A_233, %get3A_235 : vector<16xf32>
    %get3A_237 = arith.constant 560 : index
    %get3A_238 = tpu.vector_load %arg5[%get3A_237] {strides = array<i32>} : memref<4096xf32, #tpu.memory_space<vmem>>, vector<16xf32>,
    %add3A_239 = arith.addf %add3A_236, %get3A_238 : vector<16xf32>
    %get3A_240 = arith.constant 624 : index
    %get3A_241 = tpu.vector_load %arg5[%get3A_240] {strides = array<i32>} : memref<4096xf32, #tpu.memory_space<vmem>>, vector<16xf32>,
    %add3A_242 = arith.addf %add3A_239, %get3A_241 : vector<16xf32>
    %get3A_243 = arith.constant 688 : index
    %get3A_244 = tpu.vector_load %arg5[%get3A_243] {strides = array<i32>} : memref<4096xf32, #tpu.memory_space<vmem>>, vector<16xf32>,
    %add3A_245 = arith.addf %add3A_242, %get3A_244 : vector<16xf32>
    %get3A_246 = arith.constant 752 : index
    %get3A_247 = tpu.vector_load %arg5[%get3A_246] {strides = array<i32>} : memref<4096xf32, #tpu.memory_space<vmem>>, vector<16xf32>,
    %add3A_248 = arith.addf %add3A_245, %get3A_247 : vector<16xf32>
    %get3A_249 = arith.constant 816 : index
    %get3A_250 = tpu.vector_load %arg5[%get3A_249] {strides = array<i32>} : memref<4096xf32, #tpu.memory_space<vmem>>, vector<16xf32>,
    %add3A_251 = arith.addf %add3A_248, %get3A_250 : vector<16xf32>
    %get3A_252 = arith.constant 880 : index
    %get3A_253 = tpu.vector_load %arg5[%get3A_252] {strides = array<i32>} : memref<4096xf32, #tpu.memory_space<vmem>>, vector<16xf32>,
    %add3A_254 = arith.addf %add3A_251, %get3A_253 : vector<16xf32>
    %get3A_255 = arith.constant 944 : index
    %get3A_256 = tpu.vector_load %arg5[%get3A_255] {strides = array<i32>} : memref<4096xf32, #tpu.memory_space<vmem>>, vector<16xf32>,
    %add3A_257 = arith.addf %add3A_254, %get3A_256 : vector<16xf32>
    %get3A_258 = arith.constant 1008 : index
    %get3A_259 = tpu.vector_load %arg5[%get3A_258] {strides = array<i32>} : memref<4096xf32, #tpu.memory_space<vmem>>, vector<16xf32>,
    %add3A_260 = arith.addf %add3A_257, %get3A_259 : vector<16xf32>
    %swap3A_261 = arith.constant 0 : i32
    %swap3A_262 = arith.index_cast %swap3A_261 : i32 to index
    %swap3A_263 = arith.constant 48 : index
    %swap3A_264 = tpu.vector_load %arg6[%swap3A_262, %swap3A_263] {strides = array<i32>} : memref<4x64xf32, #tpu.memory_space<vmem>>, vector<16xf32>,
    tpu.vector_store %arg6[%swap3A_262, %swap3A_263], %add3A_260 {strides = array<i32>} : memref<4x64xf32, #tpu.memory_space<vmem>>, vector<16xf32>,
    %get3A_265 = arith.constant 1024 : index
    %get3A_266 = tpu.vector_load %arg5[%get3A_265] {strides = array<i32>} : memref<4096xf32, #tpu.memory_space<vmem>>, vector<16xf32>,
    %add3A_267 = arith.addf %broadcast_in_dim3A_3, %get3A_266 : vector<16xf32>
    %get3A_268 = arith.constant 1088 : index
    %get3A_269 = tpu.vector_load %arg5[%get3A_268] {strides = array<i32>} : memref<4096xf32, #tpu.memory_space<vmem>>, vector<16xf32>,
    %add3A_270 = arith.addf %add3A_267, %get3A_269 : vector<16xf32>
    %get3A_271 = arith.constant 1152 : index
    %get3A_272 = tpu.vector_load %arg5[%get3A_271] {strides = array<i32>} : memref<4096xf32, #tpu.memory_space<vmem>>, vector<16xf32>,
    %add3A_273 = arith.addf %add3A_270, %get3A_272 : vector<16xf32>
    %get3A_274 = arith.constant 1216 : index
    %get3A_275 = tpu.vector_load %arg5[%get3A_274] {strides = array<i32>} : memref<4096xf32, #tpu.memory_space<vmem>>, vector<16xf32>,
    %add3A_276 = arith.addf %add3A_273, %get3A_275 : vector<16xf32>
    %get3A_277 = arith.constant 1280 : index
    %get3A_278 = tpu.vector_load %arg5[%get3A_277] {strides = array<i32>} : memref<4096xf32, #tpu.memory_space<vmem>>, vector<16xf32>,
    %add3A_279 = arith.addf %add3A_276, %get3A_278 : vector<16xf32>
    %get3A_280 = arith.constant 1344 : index
    %get3A_281 = tpu.vector_load %arg5[%get3A_280] {strides = array<i32>} : memref<4096xf32, #tpu.memory_space<vmem>>, vector<16xf32>,
    %add3A_282 = arith.addf %add3A_279, %get3A_281 : vector<16xf32>
    %get3A_283 = arith.constant 1408 : index
    %get3A_284 = tpu.vector_load %arg5[%get3A_283] {strides = array<i32>} : memref<4096xf32, #tpu.memory_space<vmem>>, vector<16xf32>,
    %add3A_285 = arith.addf %add3A_282, %get3A_284 : vector<16xf32>
    %get3A_286 = arith.constant 1472 : index
    %get3A_287 = tpu.vector_load %arg5[%get3A_286] {strides = array<i32>} : memref<4096xf32, #tpu.memory_space<vmem>>, vector<16xf32>,
    %add3A_288 = arith.addf %add3A_285, %get3A_287 : vector<16xf32>
    %get3A_289 = arith.constant 1536 : index
    %get3A_290 = tpu.vector_load %arg5[%get3A_289] {strides = array<i32>} : memref<4096xf32, #tpu.memory_space<vmem>>, vector<16xf32>,
    %add3A_291 = arith.addf %add3A_288, %get3A_290 : vector<16xf32>
    %get3A_292 = arith.constant 1600 : index
    %get3A_293 = tpu.vector_load %arg5[%get3A_292] {strides = array<i32>} : memref<4096xf32, #tpu.memory_space<vmem>>, vector<16xf32>,
    %add3A_294 = arith.addf %add3A_291, %get3A_293 : vector<16xf32>
    %get3A_295 = arith.constant 1664 : index
    %get3A_296 = tpu.vector_load %arg5[%get3A_295] {strides = array<i32>} : memref<4096xf32, #tpu.memory_space<vmem>>, vector<16xf32>,
    %add3A_297 = arith.addf %add3A_294, %get3A_296 : vector<16xf32>
    %get3A_298 = arith.constant 1728 : index
    %get3A_299 = tpu.vector_load %arg5[%get3A_298] {strides = array<i32>} : memref<4096xf32, #tpu.memory_space<vmem>>, vector<16xf32>,
    %add3A_300 = arith.addf %add3A_297, %get3A_299 : vector<16xf32>
    %get3A_301 = arith.constant 1792 : index
    %get3A_302 = tpu.vector_load %arg5[%get3A_301] {strides = array<i32>} : memref<4096xf32, #tpu.memory_space<vmem>>, vector<16xf32>,
    %add3A_303 = arith.addf %add3A_300, %get3A_302 : vector<16xf32>
    %get3A_304 = arith.constant 1856 : index
    %get3A_305 = tpu.vector_load %arg5[%get3A_304] {strides = array<i32>} : memref<4096xf32, #tpu.memory_space<vmem>>, vector<16xf32>,
    %add3A_306 = arith.addf %add3A_303, %get3A_305 : vector<16xf32>
    %get3A_307 = arith.constant 1920 : index
    %get3A_308 = tpu.vector_load %arg5[%get3A_307] {strides = array<i32>} : memref<4096xf32, #tpu.memory_space<vmem>>, vector<16xf32>,
    %add3A_309 = arith.addf %add3A_306, %get3A_308 : vector<16xf32>
    %get3A_310 = arith.constant 1984 : index
    %get3A_311 = tpu.vector_load %arg5[%get3A_310] {strides = array<i32>} : memref<4096xf32, #tpu.memory_space<vmem>>, vector<16xf32>,
    %add3A_312 = arith.addf %add3A_309, %get3A_311 : vector<16xf32>
    %swap3A_313 = arith.constant 1 : i32
    %swap3A_314 = arith.index_cast %swap3A_313 : i32 to index
    %swap3A_315 = arith.constant 0 : index
    %swap3A_316 = tpu.vector_load %arg6[%swap3A_314, %swap3A_315] {strides = array<i32>} : memref<4x64xf32, #tpu.memory_space<vmem>>, vector<16xf32>,
    tpu.vector_store %arg6[%swap3A_314, %swap3A_315], %add3A_312 {strides = array<i32>} : memref<4x64xf32, #tpu.memory_space<vmem>>, vector<16xf32>,
    %get3A_317 = arith.constant 1040 : index
    %get3A_318 = tpu.vector_load %arg5[%get3A_317] {strides = array<i32>} : memref<4096xf32, #tpu.memory_space<vmem>>, vector<16xf32>,
    %add3A_319 = arith.addf %broadcast_in_dim3A_3, %get3A_318 : vector<16xf32>
    %get3A_320 = arith.constant 1104 : index
    %get3A_321 = tpu.vector_load %arg5[%get3A_320] {strides = array<i32>} : memref<4096xf32, #tpu.memory_space<vmem>>, vector<16xf32>,
    %add3A_322 = arith.addf %add3A_319, %get3A_321 : vector<16xf32>
    %get3A_323 = arith.constant 1168 : index
    %get3A_324 = tpu.vector_load %arg5[%get3A_323] {strides = array<i32>} : memref<4096xf32, #tpu.memory_space<vmem>>, vector<16xf32>,
    %add3A_325 = arith.addf %add3A_322, %get3A_324 : vector<16xf32>
    %get3A_326 = arith.constant 1232 : index
    %get3A_327 = tpu.vector_load %arg5[%get3A_326] {strides = array<i32>} : memref<4096xf32, #tpu.memory_space<vmem>>, vector<16xf32>,
    %add3A_328 = arith.addf %add3A_325, %get3A_327 : vector<16xf32>
    %get3A_329 = arith.constant 1296 : index
    %get3A_330 = tpu.vector_load %arg5[%get3A_329] {strides = array<i32>} : memref<4096xf32, #tpu.memory_space<vmem>>, vector<16xf32>,
    %add3A_331 = arith.addf %add3A_328, %get3A_330 : vector<16xf32>
    %get3A_332 = arith.constant 1360 : index
    %get3A_333 = tpu.vector_load %arg5[%get3A_332] {strides = array<i32>} : memref<4096xf32, #tpu.memory_space<vmem>>, vector<16xf32>,
    %add3A_334 = arith.addf %add3A_331, %get3A_333 : vector<16xf32>
    %get3A_335 = arith.constant 1424 : index
    %get3A_336 = tpu.vector_load %arg5[%get3A_335] {strides = array<i32>} : memref<4096xf32, #tpu.memory_space<vmem>>, vector<16xf32>,
    %add3A_337 = arith.addf %add3A_334, %get3A_336 : vector<16xf32>
    %get3A_338 = arith.constant 1488 : index
    %get3A_339 = tpu.vector_load %arg5[%get3A_338] {strides = array<i32>} : memref<4096xf32, #tpu.memory_space<vmem>>, vector<16xf32>,
    %add3A_340 = arith.addf %add3A_337, %get3A_339 : vector<16xf32>
    %get3A_341 = arith.constant 1552 : index
    %get3A_342 = tpu.vector_load %arg5[%get3A_341] {strides = array<i32>} : memref<4096xf32, #tpu.memory_space<vmem>>, vector<16xf32>,
    %add3A_343 = arith.addf %add3A_340, %get3A_342 : vector<16xf32>
    %get3A_344 = arith.constant 1616 : index
    %get3A_345 = tpu.vector_load %arg5[%get3A_344] {strides = array<i32>} : memref<4096xf32, #tpu.memory_space<vmem>>, vector<16xf32>,
    %add3A_346 = arith.addf %add3A_343, %get3A_345 : vector<16xf32>
    %get3A_347 = arith.constant 1680 : index
    %get3A_348 = tpu.vector_load %arg5[%get3A_347] {strides = array<i32>} : memref<4096xf32, #tpu.memory_space<vmem>>, vector<16xf32>,
    %add3A_349 = arith.addf %add3A_346, %get3A_348 : vector<16xf32>
    %get3A_350 = arith.constant 1744 : index
    %get3A_351 = tpu.vector_load %arg5[%get3A_350] {strides = array<i32>} : memref<4096xf32, #tpu.memory_space<vmem>>, vector<16xf32>,
    %add3A_352 = arith.addf %add3A_349, %get3A_351 : vector<16xf32>
    %get3A_353 = arith.constant 1808 : index
    %get3A_354 = tpu.vector_load %arg5[%get3A_353] {strides = array<i32>} : memref<4096xf32, #tpu.memory_space<vmem>>, vector<16xf32>,
    %add3A_355 = arith.addf %add3A_352, %get3A_354 : vector<16xf32>
    %get3A_356 = arith.constant 1872 : index
    %get3A_357 = tpu.vector_load %arg5[%get3A_356] {strides = array<i32>} : memref<4096xf32, #tpu.memory_space<vmem>>, vector<16xf32>,
    %add3A_358 = arith.addf %add3A_355, %get3A_357 : vector<16xf32>
    %get3A_359 = arith.constant 1936 : index
    %get3A_360 = tpu.vector_load %arg5[%get3A_359] {strides = array<i32>} : memref<4096xf32, #tpu.memory_space<vmem>>, vector<16xf32>,
    %add3A_361 = arith.addf %add3A_358, %get3A_360 : vector<16xf32>
    %get3A_362 = arith.constant 2000 : index
    %get3A_363 = tpu.vector_load %arg5[%get3A_362] {strides = array<i32>} : memref<4096xf32, #tpu.memory_space<vmem>>, vector<16xf32>,
    %add3A_364 = arith.addf %add3A_361, %get3A_363 : vector<16xf32>
    %swap3A_365 = arith.constant 1 : i32
    %swap3A_366 = arith.index_cast %swap3A_365 : i32 to index
    %swap3A_367 = arith.constant 16 : index
    %swap3A_368 = tpu.vector_load %arg6[%swap3A_366, %swap3A_367] {strides = array<i32>} : memref<4x64xf32, #tpu.memory_space<vmem>>, vector<16xf32>,
    tpu.vector_store %arg6[%swap3A_366, %swap3A_367], %add3A_364 {strides = array<i32>} : memref<4x64xf32, #tpu.memory_space<vmem>>, vector<16xf32>,
    %get3A_369 = arith.constant 1056 : index
    %get3A_370 = tpu.vector_load %arg5[%get3A_369] {strides = array<i32>} : memref<4096xf32, #tpu.memory_space<vmem>>, vector<16xf32>,
    %add3A_371 = arith.addf %broadcast_in_dim3A_3, %get3A_370 : vector<16xf32>
    %get3A_372 = arith.constant 1120 : index
    %get3A_373 = tpu.vector_load %arg5[%get3A_372] {strides = array<i32>} : memref<4096xf32, #tpu.memory_space<vmem>>, vector<16xf32>,
    %add3A_374 = arith.addf %add3A_371, %get3A_373 : vector<16xf32>
    %get3A_375 = arith.constant 1184 : index
    %get3A_376 = tpu.vector_load %arg5[%get3A_375] {strides = array<i32>} : memref<4096xf32, #tpu.memory_space<vmem>>, vector<16xf32>,
    %add3A_377 = arith.addf %add3A_374, %get3A_376 : vector<16xf32>
    %get3A_378 = arith.constant 1248 : index
    %get3A_379 = tpu.vector_load %arg5[%get3A_378] {strides = array<i32>} : memref<4096xf32, #tpu.memory_space<vmem>>, vector<16xf32>,
    %add3A_380 = arith.addf %add3A_377, %get3A_379 : vector<16xf32>
    %get3A_381 = arith.constant 1312 : index
    %get3A_382 = tpu.vector_load %arg5[%get3A_381] {strides = array<i32>} : memref<4096xf32, #tpu.memory_space<vmem>>, vector<16xf32>,
    %add3A_383 = arith.addf %add3A_380, %get3A_382 : vector<16xf32>
    %get3A_384 = arith.constant 1376 : index
    %get3A_385 = tpu.vector_load %arg5[%get3A_384] {strides = array<i32>} : memref<4096xf32, #tpu.memory_space<vmem>>, vector<16xf32>,
    %add3A_386 = arith.addf %add3A_383, %get3A_385 : vector<16xf32>
    %get3A_387 = arith.constant 1440 : index
    %get3A_388 = tpu.vector_load %arg5[%get3A_387] {strides = array<i32>} : memref<4096xf32, #tpu.memory_space<vmem>>, vector<16xf32>,
    %add3A_389 = arith.addf %add3A_386, %get3A_388 : vector<16xf32>
    %get3A_390 = arith.constant 1504 : index
    %get3A_391 = tpu.vector_load %arg5[%get3A_390] {strides = array<i32>} : memref<4096xf32, #tpu.memory_space<vmem>>, vector<16xf32>,
    %add3A_392 = arith.addf %add3A_389, %get3A_391 : vector<16xf32>
    %get3A_393 = arith.constant 1568 : index
    %get3A_394 = tpu.vector_load %arg5[%get3A_393] {strides = array<i32>} : memref<4096xf32, #tpu.memory_space<vmem>>, vector<16xf32>,
    %add3A_395 = arith.addf %add3A_392, %get3A_394 : vector<16xf32>
    %get3A_396 = arith.constant 1632 : index
    %get3A_397 = tpu.vector_load %arg5[%get3A_396] {strides = array<i32>} : memref<4096xf32, #tpu.memory_space<vmem>>, vector<16xf32>,
    %add3A_398 = arith.addf %add3A_395, %get3A_397 : vector<16xf32>
    %get3A_399 = arith.constant 1696 : index
    %get3A_400 = tpu.vector_load %arg5[%get3A_399] {strides = array<i32>} : memref<4096xf32, #tpu.memory_space<vmem>>, vector<16xf32>,
    %add3A_401 = arith.addf %add3A_398, %get3A_400 : vector<16xf32>
    %get3A_402 = arith.constant 1760 : index
    %get3A_403 = tpu.vector_load %arg5[%get3A_402] {strides = array<i32>} : memref<4096xf32, #tpu.memory_space<vmem>>, vector<16xf32>,
    %add3A_404 = arith.addf %add3A_401, %get3A_403 : vector<16xf32>
    %get3A_405 = arith.constant 1824 : index
    %get3A_406 = tpu.vector_load %arg5[%get3A_405] {strides = array<i32>} : memref<4096xf32, #tpu.memory_space<vmem>>, vector<16xf32>,
    %add3A_407 = arith.addf %add3A_404, %get3A_406 : vector<16xf32>
    %get3A_408 = arith.constant 1888 : index
    %get3A_409 = tpu.vector_load %arg5[%get3A_408] {strides = array<i32>} : memref<4096xf32, #tpu.memory_space<vmem>>, vector<16xf32>,
    %add3A_410 = arith.addf %add3A_407, %get3A_409 : vector<16xf32>
    %get3A_411 = arith.constant 1952 : index
    %get3A_412 = tpu.vector_load %arg5[%get3A_411] {strides = array<i32>} : memref<4096xf32, #tpu.memory_space<vmem>>, vector<16xf32>,
    %add3A_413 = arith.addf %add3A_410, %get3A_412 : vector<16xf32>
    %get3A_414 = arith.constant 2016 : index
    %get3A_415 = tpu.vector_load %arg5[%get3A_414] {strides = array<i32>} : memref<4096xf32, #tpu.memory_space<vmem>>, vector<16xf32>,
    %add3A_416 = arith.addf %add3A_413, %get3A_415 : vector<16xf32>
    %swap3A_417 = arith.constant 1 : i32
    %swap3A_418 = arith.index_cast %swap3A_417 : i32 to index
    %swap3A_419 = arith.constant 32 : index
    %swap3A_420 = tpu.vector_load %arg6[%swap3A_418, %swap3A_419] {strides = array<i32>} : memref<4x64xf32, #tpu.memory_space<vmem>>, vector<16xf32>,
    tpu.vector_store %arg6[%swap3A_418, %swap3A_419], %add3A_416 {strides = array<i32>} : memref<4x64xf32, #tpu.memory_space<vmem>>, vector<16xf32>,
    %get3A_421 = arith.constant 1072 : index
    %get3A_422 = tpu.vector_load %arg5[%get3A_421] {strides = array<i32>} : memref<4096xf32, #tpu.memory_space<vmem>>, vector<16xf32>,
    %add3A_423 = arith.addf %broadcast_in_dim3A_3, %get3A_422 : vector<16xf32>
    %get3A_424 = arith.constant 1136 : index
    %get3A_425 = tpu.vector_load %arg5[%get3A_424] {strides = array<i32>} : memref<4096xf32, #tpu.memory_space<vmem>>, vector<16xf32>,
    %add3A_426 = arith.addf %add3A_423, %get3A_425 : vector<16xf32>
    %get3A_427 = arith.constant 1200 : index
    %get3A_428 = tpu.vector_load %arg5[%get3A_427] {strides = array<i32>} : memref<4096xf32, #tpu.memory_space<vmem>>, vector<16xf32>,
    %add3A_429 = arith.addf %add3A_426, %get3A_428 : vector<16xf32>
    %get3A_430 = arith.constant 1264 : index
    %get3A_431 = tpu.vector_load %arg5[%get3A_430] {strides = array<i32>} : memref<4096xf32, #tpu.memory_space<vmem>>, vector<16xf32>,
    %add3A_432 = arith.addf %add3A_429, %get3A_431 : vector<16xf32>
    %get3A_433 = arith.constant 1328 : index
    %get3A_434 = tpu.vector_load %arg5[%get3A_433] {strides = array<i32>} : memref<4096xf32, #tpu.memory_space<vmem>>, vector<16xf32>,
    %add3A_435 = arith.addf %add3A_432, %get3A_434 : vector<16xf32>
    %get3A_436 = arith.constant 1392 : index
    %get3A_437 = tpu.vector_load %arg5[%get3A_436] {strides = array<i32>} : memref<4096xf32, #tpu.memory_space<vmem>>, vector<16xf32>,
    %add3A_438 = arith.addf %add3A_435, %get3A_437 : vector<16xf32>
    %get3A_439 = arith.constant 1456 : index
    %get3A_440 = tpu.vector_load %arg5[%get3A_439] {strides = array<i32>} : memref<4096xf32, #tpu.memory_space<vmem>>, vector<16xf32>,
    %add3A_441 = arith.addf %add3A_438, %get3A_440 : vector<16xf32>
    %get3A_442 = arith.constant 1520 : index
    %get3A_443 = tpu.vector_load %arg5[%get3A_442] {strides = array<i32>} : memref<4096xf32, #tpu.memory_space<vmem>>, vector<16xf32>,
    %add3A_444 = arith.addf %add3A_441, %get3A_443 : vector<16xf32>
    %get3A_445 = arith.constant 1584 : index
    %get3A_446 = tpu.vector_load %arg5[%get3A_445] {strides = array<i32>} : memref<4096xf32, #tpu.memory_space<vmem>>, vector<16xf32>,
    %add3A_447 = arith.addf %add3A_444, %get3A_446 : vector<16xf32>
    %get3A_448 = arith.constant 1648 : index
    %get3A_449 = tpu.vector_load %arg5[%get3A_448] {strides = array<i32>} : memref<4096xf32, #tpu.memory_space<vmem>>, vector<16xf32>,
    %add3A_450 = arith.addf %add3A_447, %get3A_449 : vector<16xf32>
    %get3A_451 = arith.constant 1712 : index
    %get3A_452 = tpu.vector_load %arg5[%get3A_451] {strides = array<i32>} : memref<4096xf32, #tpu.memory_space<vmem>>, vector<16xf32>,
    %add3A_453 = arith.addf %add3A_450, %get3A_452 : vector<16xf32>
    %get3A_454 = arith.constant 1776 : index
    %get3A_455 = tpu.vector_load %arg5[%get3A_454] {strides = array<i32>} : memref<4096xf32, #tpu.memory_space<vmem>>, vector<16xf32>,
    %add3A_456 = arith.addf %add3A_453, %get3A_455 : vector<16xf32>
    %get3A_457 = arith.constant 1840 : index
    %get3A_458 = tpu.vector_load %arg5[%get3A_457] {strides = array<i32>} : memref<4096xf32, #tpu.memory_space<vmem>>, vector<16xf32>,
    %add3A_459 = arith.addf %add3A_456, %get3A_458 : vector<16xf32>
    %get3A_460 = arith.constant 1904 : index
    %get3A_461 = tpu.vector_load %arg5[%get3A_460] {strides = array<i32>} : memref<4096xf32, #tpu.memory_space<vmem>>, vector<16xf32>,
    %add3A_462 = arith.addf %add3A_459, %get3A_461 : vector<16xf32>
    %get3A_463 = arith.constant 1968 : index
    %get3A_464 = tpu.vector_load %arg5[%get3A_463] {strides = array<i32>} : memref<4096xf32, #tpu.memory_space<vmem>>, vector<16xf32>,
    %add3A_465 = arith.addf %add3A_462, %get3A_464 : vector<16xf32>
    %get3A_466 = arith.constant 2032 : index
    %get3A_467 = tpu.vector_load %arg5[%get3A_466] {strides = array<i32>} : memref<4096xf32, #tpu.memory_space<vmem>>, vector<16xf32>,
    %add3A_468 = arith.addf %add3A_465, %get3A_467 : vector<16xf32>
    %swap3A_469 = arith.constant 1 : i32
    %swap3A_470 = arith.index_cast %swap3A_469 : i32 to index
    %swap3A_471 = arith.constant 48 : index
    %swap3A_472 = tpu.vector_load %arg6[%swap3A_470, %swap3A_471] {strides = array<i32>} : memref<4x64xf32, #tpu.memory_space<vmem>>, vector<16xf32>,
    tpu.vector_store %arg6[%swap3A_470, %swap3A_471], %add3A_468 {strides = array<i32>} : memref<4x64xf32, #tpu.memory_space<vmem>>, vector<16xf32>,
    %get3A_473 = arith.constant 2048 : index
    %get3A_474 = tpu.vector_load %arg5[%get3A_473] {strides = array<i32>} : memref<4096xf32, #tpu.memory_space<vmem>>, vector<16xf32>,
    %add3A_475 = arith.addf %broadcast_in_dim3A_3, %get3A_474 : vector<16xf32>
    %get3A_476 = arith.constant 2112 : index
    %get3A_477 = tpu.vector_load %arg5[%get3A_476] {strides = array<i32>} : memref<4096xf32, #tpu.memory_space<vmem>>, vector<16xf32>,
    %add3A_478 = arith.addf %add3A_475, %get3A_477 : vector<16xf32>
    %get3A_479 = arith.constant 2176 : index
    %get3A_480 = tpu.vector_load %arg5[%get3A_479] {strides = array<i32>} : memref<4096xf32, #tpu.memory_space<vmem>>, vector<16xf32>,
    %add3A_481 = arith.addf %add3A_478, %get3A_480 : vector<16xf32>
    %get3A_482 = arith.constant 2240 : index
    %get3A_483 = tpu.vector_load %arg5[%get3A_482] {strides = array<i32>} : memref<4096xf32, #tpu.memory_space<vmem>>, vector<16xf32>,
    %add3A_484 = arith.addf %add3A_481, %get3A_483 : vector<16xf32>
    %get3A_485 = arith.constant 2304 : index
    %get3A_486 = tpu.vector_load %arg5[%get3A_485] {strides = array<i32>} : memref<4096xf32, #tpu.memory_space<vmem>>, vector<16xf32>,
    %add3A_487 = arith.addf %add3A_484, %get3A_486 : vector<16xf32>
    %get3A_488 = arith.constant 2368 : index
    %get3A_489 = tpu.vector_load %arg5[%get3A_488] {strides = array<i32>} : memref<4096xf32, #tpu.memory_space<vmem>>, vector<16xf32>,
    %add3A_490 = arith.addf %add3A_487, %get3A_489 : vector<16xf32>
    %get3A_491 = arith.constant 2432 : index
    %get3A_492 = tpu.vector_load %arg5[%get3A_491] {strides = array<i32>} : memref<4096xf32, #tpu.memory_space<vmem>>, vector<16xf32>,
    %add3A_493 = arith.addf %add3A_490, %get3A_492 : vector<16xf32>
    %get3A_494 = arith.constant 2496 : index
    %get3A_495 = tpu.vector_load %arg5[%get3A_494] {strides = array<i32>} : memref<4096xf32, #tpu.memory_space<vmem>>, vector<16xf32>,
    %add3A_496 = arith.addf %add3A_493, %get3A_495 : vector<16xf32>
    %get3A_497 = arith.constant 2560 : index
    %get3A_498 = tpu.vector_load %arg5[%get3A_497] {strides = array<i32>} : memref<4096xf32, #tpu.memory_space<vmem>>, vector<16xf32>,
    %add3A_499 = arith.addf %add3A_496, %get3A_498 : vector<16xf32>
    %get3A_500 = arith.constant 2624 : index
    %get3A_501 = tpu.vector_load %arg5[%get3A_500] {strides = array<i32>} : memref<4096xf32, #tpu.memory_space<vmem>>, vector<16xf32>,
    %add3A_502 = arith.addf %add3A_499, %get3A_501 : vector<16xf32>
    %get3A_503 = arith.constant 2688 : index
    %get3A_504 = tpu.vector_load %arg5[%get3A_503] {strides = array<i32>} : memref<4096xf32, #tpu.memory_space<vmem>>, vector<16xf32>,
    %add3A_505 = arith.addf %add3A_502, %get3A_504 : vector<16xf32>
    %get3A_506 = arith.constant 2752 : index
    %get3A_507 = tpu.vector_load %arg5[%get3A_506] {strides = array<i32>} : memref<4096xf32, #tpu.memory_space<vmem>>, vector<16xf32>,
    %add3A_508 = arith.addf %add3A_505, %get3A_507 : vector<16xf32>
    %get3A_509 = arith.constant 2816 : index
    %get3A_510 = tpu.vector_load %arg5[%get3A_509] {strides = array<i32>} : memref<4096xf32, #tpu.memory_space<vmem>>, vector<16xf32>,
    %add3A_511 = arith.addf %add3A_508, %get3A_510 : vector<16xf32>
    %get3A_512 = arith.constant 2880 : index
    %get3A_513 = tpu.vector_load %arg5[%get3A_512] {strides = array<i32>} : memref<4096xf32, #tpu.memory_space<vmem>>, vector<16xf32>,
    %add3A_514 = arith.addf %add3A_511, %get3A_513 : vector<16xf32>
    %get3A_515 = arith.constant 2944 : index
    %get3A_516 = tpu.vector_load %arg5[%get3A_515] {strides = array<i32>} : memref<4096xf32, #tpu.memory_space<vmem>>, vector<16xf32>,
    %add3A_517 = arith.addf %add3A_514, %get3A_516 : vector<16xf32>
    %get3A_518 = arith.constant 3008 : index
    %get3A_519 = tpu.vector_load %arg5[%get3A_518] {strides = array<i32>} : memref<4096xf32, #tpu.memory_space<vmem>>, vector<16xf32>,
    %add3A_520 = arith.addf %add3A_517, %get3A_519 : vector<16xf32>
    %swap3A_521 = arith.constant 2 : i32
    %swap3A_522 = arith.index_cast %swap3A_521 : i32 to index
    %swap3A_523 = arith.constant 0 : index
    %swap3A_524 = tpu.vector_load %arg6[%swap3A_522, %swap3A_523] {strides = array<i32>} : memref<4x64xf32, #tpu.memory_space<vmem>>, vector<16xf32>,
    tpu.vector_store %arg6[%swap3A_522, %swap3A_523], %add3A_520 {strides = array<i32>} : memref<4x64xf32, #tpu.memory_space<vmem>>, vector<16xf32>,
    %get3A_525 = arith.constant 2064 : index
    %get3A_526 = tpu.vector_load %arg5[%get3A_525] {strides = array<i32>} : memref<4096xf32, #tpu.memory_space<vmem>>, vector<16xf32>,
    %add3A_527 = arith.addf %broadcast_in_dim3A_3, %get3A_526 : vector<16xf32>
    %get3A_528 = arith.constant 2128 : index
    %get3A_529 = tpu.vector_load %arg5[%get3A_528] {strides = array<i32>} : memref<4096xf32, #tpu.memory_space<vmem>>, vector<16xf32>,
    %add3A_530 = arith.addf %add3A_527, %get3A_529 : vector<16xf32>
    %get3A_531 = arith.constant 2192 : index
    %get3A_532 = tpu.vector_load %arg5[%get3A_531] {strides = array<i32>} : memref<4096xf32, #tpu.memory_space<vmem>>, vector<16xf32>,
    %add3A_533 = arith.addf %add3A_530, %get3A_532 : vector<16xf32>
    %get3A_534 = arith.constant 2256 : index
    %get3A_535 = tpu.vector_load %arg5[%get3A_534] {strides = array<i32>} : memref<4096xf32, #tpu.memory_space<vmem>>, vector<16xf32>,
    %add3A_536 = arith.addf %add3A_533, %get3A_535 : vector<16xf32>
    %get3A_537 = arith.constant 2320 : index
    %get3A_538 = tpu.vector_load %arg5[%get3A_537] {strides = array<i32>} : memref<4096xf32, #tpu.memory_space<vmem>>, vector<16xf32>,
    %add3A_539 = arith.addf %add3A_536, %get3A_538 : vector<16xf32>
    %get3A_540 = arith.constant 2384 : index
    %get3A_541 = tpu.vector_load %arg5[%get3A_540] {strides = array<i32>} : memref<4096xf32, #tpu.memory_space<vmem>>, vector<16xf32>,
    %add3A_542 = arith.addf %add3A_539, %get3A_541 : vector<16xf32>
    %get3A_543 = arith.constant 2448 : index
    %get3A_544 = tpu.vector_load %arg5[%get3A_543] {strides = array<i32>} : memref<4096xf32, #tpu.memory_space<vmem>>, vector<16xf32>,
    %add3A_545 = arith.addf %add3A_542, %get3A_544 : vector<16xf32>
    %get3A_546 = arith.constant 2512 : index
    %get3A_547 = tpu.vector_load %arg5[%get3A_546] {strides = array<i32>} : memref<4096xf32, #tpu.memory_space<vmem>>, vector<16xf32>,
    %add3A_548 = arith.addf %add3A_545, %get3A_547 : vector<16xf32>
    %get3A_549 = arith.constant 2576 : index
    %get3A_550 = tpu.vector_load %arg5[%get3A_549] {strides = array<i32>} : memref<4096xf32, #tpu.memory_space<vmem>>, vector<16xf32>,
    %add3A_551 = arith.addf %add3A_548, %get3A_550 : vector<16xf32>
    %get3A_552 = arith.constant 2640 : index
    %get3A_553 = tpu.vector_load %arg5[%get3A_552] {strides = array<i32>} : memref<4096xf32, #tpu.memory_space<vmem>>, vector<16xf32>,
    %add3A_554 = arith.addf %add3A_551, %get3A_553 : vector<16xf32>
    %get3A_555 = arith.constant 2704 : index
    %get3A_556 = tpu.vector_load %arg5[%get3A_555] {strides = array<i32>} : memref<4096xf32, #tpu.memory_space<vmem>>, vector<16xf32>,
    %add3A_557 = arith.addf %add3A_554, %get3A_556 : vector<16xf32>
    %get3A_558 = arith.constant 2768 : index
    %get3A_559 = tpu.vector_load %arg5[%get3A_558] {strides = array<i32>} : memref<4096xf32, #tpu.memory_space<vmem>>, vector<16xf32>,
    %add3A_560 = arith.addf %add3A_557, %get3A_559 : vector<16xf32>
    %get3A_561 = arith.constant 2832 : index
    %get3A_562 = tpu.vector_load %arg5[%get3A_561] {strides = array<i32>} : memref<4096xf32, #tpu.memory_space<vmem>>, vector<16xf32>,
    %add3A_563 = arith.addf %add3A_560, %get3A_562 : vector<16xf32>
    %get3A_564 = arith.constant 2896 : index
    %get3A_565 = tpu.vector_load %arg5[%get3A_564] {strides = array<i32>} : memref<4096xf32, #tpu.memory_space<vmem>>, vector<16xf32>,
    %add3A_566 = arith.addf %add3A_563, %get3A_565 : vector<16xf32>
    %get3A_567 = arith.constant 2960 : index
    %get3A_568 = tpu.vector_load %arg5[%get3A_567] {strides = array<i32>} : memref<4096xf32, #tpu.memory_space<vmem>>, vector<16xf32>,
    %add3A_569 = arith.addf %add3A_566, %get3A_568 : vector<16xf32>
    %get3A_570 = arith.constant 3024 : index
    %get3A_571 = tpu.vector_load %arg5[%get3A_570] {strides = array<i32>} : memref<4096xf32, #tpu.memory_space<vmem>>, vector<16xf32>,
    %add3A_572 = arith.addf %add3A_569, %get3A_571 : vector<16xf32>
    %swap3A_573 = arith.constant 2 : i32
    %swap3A_574 = arith.index_cast %swap3A_573 : i32 to index
    %swap3A_575 = arith.constant 16 : index
    %swap3A_576 = tpu.vector_load %arg6[%swap3A_574, %swap3A_575] {strides = array<i32>} : memref<4x64xf32, #tpu.memory_space<vmem>>, vector<16xf32>,
    tpu.vector_store %arg6[%swap3A_574, %swap3A_575], %add3A_572 {strides = array<i32>} : memref<4x64xf32, #tpu.memory_space<vmem>>, vector<16xf32>,
    %get3A_577 = arith.constant 2080 : index
    %get3A_578 = tpu.vector_load %arg5[%get3A_577] {strides = array<i32>} : memref<4096xf32, #tpu.memory_space<vmem>>, vector<16xf32>,
    %add3A_579 = arith.addf %broadcast_in_dim3A_3, %get3A_578 : vector<16xf32>
    %get3A_580 = arith.constant 2144 : index
    %get3A_581 = tpu.vector_load %arg5[%get3A_580] {strides = array<i32>} : memref<4096xf32, #tpu.memory_space<vmem>>, vector<16xf32>,
    %add3A_582 = arith.addf %add3A_579, %get3A_581 : vector<16xf32>
    %get3A_583 = arith.constant 2208 : index
    %get3A_584 = tpu.vector_load %arg5[%get3A_583] {strides = array<i32>} : memref<4096xf32, #tpu.memory_space<vmem>>, vector<16xf32>,
    %add3A_585 = arith.addf %add3A_582, %get3A_584 : vector<16xf32>
    %get3A_586 = arith.constant 2272 : index
    %get3A_587 = tpu.vector_load %arg5[%get3A_586] {strides = array<i32>} : memref<4096xf32, #tpu.memory_space<vmem>>, vector<16xf32>,
    %add3A_588 = arith.addf %add3A_585, %get3A_587 : vector<16xf32>
    %get3A_589 = arith.constant 2336 : index
    %get3A_590 = tpu.vector_load %arg5[%get3A_589] {strides = array<i32>} : memref<4096xf32, #tpu.memory_space<vmem>>, vector<16xf32>,
    %add3A_591 = arith.addf %add3A_588, %get3A_590 : vector<16xf32>
    %get3A_592 = arith.constant 2400 : index
    %get3A_593 = tpu.vector_load %arg5[%get3A_592] {strides = array<i32>} : memref<4096xf32, #tpu.memory_space<vmem>>, vector<16xf32>,
    %add3A_594 = arith.addf %add3A_591, %get3A_593 : vector<16xf32>
    %get3A_595 = arith.constant 2464 : index
    %get3A_596 = tpu.vector_load %arg5[%get3A_595] {strides = array<i32>} : memref<4096xf32, #tpu.memory_space<vmem>>, vector<16xf32>,
    %add3A_597 = arith.addf %add3A_594, %get3A_596 : vector<16xf32>
    %get3A_598 = arith.constant 2528 : index
    %get3A_599 = tpu.vector_load %arg5[%get3A_598] {strides = array<i32>} : memref<4096xf32, #tpu.memory_space<vmem>>, vector<16xf32>,
    %add3A_600 = arith.addf %add3A_597, %get3A_599 : vector<16xf32>
    %get3A_601 = arith.constant 2592 : index
    %get3A_602 = tpu.vector_load %arg5[%get3A_601] {strides = array<i32>} : memref<4096xf32, #tpu.memory_space<vmem>>, vector<16xf32>,
    %add3A_603 = arith.addf %add3A_600, %get3A_602 : vector<16xf32>
    %get3A_604 = arith.constant 2656 : index
    %get3A_605 = tpu.vector_load %arg5[%get3A_604] {strides = array<i32>} : memref<4096xf32, #tpu.memory_space<vmem>>, vector<16xf32>,
    %add3A_606 = arith.addf %add3A_603, %get3A_605 : vector<16xf32>
    %get3A_607 = arith.constant 2720 : index
    %get3A_608 = tpu.vector_load %arg5[%get3A_607] {strides = array<i32>} : memref<4096xf32, #tpu.memory_space<vmem>>, vector<16xf32>,
    %add3A_609 = arith.addf %add3A_606, %get3A_608 : vector<16xf32>
    %get3A_610 = arith.constant 2784 : index
    %get3A_611 = tpu.vector_load %arg5[%get3A_610] {strides = array<i32>} : memref<4096xf32, #tpu.memory_space<vmem>>, vector<16xf32>,
    %add3A_612 = arith.addf %add3A_609, %get3A_611 : vector<16xf32>
    %get3A_613 = arith.constant 2848 : index
    %get3A_614 = tpu.vector_load %arg5[%get3A_613] {strides = array<i32>} : memref<4096xf32, #tpu.memory_space<vmem>>, vector<16xf32>,
    %add3A_615 = arith.addf %add3A_612, %get3A_614 : vector<16xf32>
    %get3A_616 = arith.constant 2912 : index
    %get3A_617 = tpu.vector_load %arg5[%get3A_616] {strides = array<i32>} : memref<4096xf32, #tpu.memory_space<vmem>>, vector<16xf32>,
    %add3A_618 = arith.addf %add3A_615, %get3A_617 : vector<16xf32>
    %get3A_619 = arith.constant 2976 : index
    %get3A_620 = tpu.vector_load %arg5[%get3A_619] {strides = array<i32>} : memref<4096xf32, #tpu.memory_space<vmem>>, vector<16xf32>,
    %add3A_621 = arith.addf %add3A_618, %get3A_620 : vector<16xf32>
    %get3A_622 = arith.constant 3040 : index
    %get3A_623 = tpu.vector_load %arg5[%get3A_622] {strides = array<i32>} : memref<4096xf32, #tpu.memory_space<vmem>>, vector<16xf32>,
    %add3A_624 = arith.addf %add3A_621, %get3A_623 : vector<16xf32>
    %swap3A_625 = arith.constant 2 : i32
    %swap3A_626 = arith.index_cast %swap3A_625 : i32 to index
    %swap3A_627 = arith.constant 32 : index
    %swap3A_628 = tpu.vector_load %arg6[%swap3A_626, %swap3A_627] {strides = array<i32>} : memref<4x64xf32, #tpu.memory_space<vmem>>, vector<16xf32>,
    tpu.vector_store %arg6[%swap3A_626, %swap3A_627], %add3A_624 {strides = array<i32>} : memref<4x64xf32, #tpu.memory_space<vmem>>, vector<16xf32>,
    %get3A_629 = arith.constant 2096 : index
    %get3A_630 = tpu.vector_load %arg5[%get3A_629] {strides = array<i32>} : memref<4096xf32, #tpu.memory_space<vmem>>, vector<16xf32>,
    %add3A_631 = arith.addf %broadcast_in_dim3A_3, %get3A_630 : vector<16xf32>
    %get3A_632 = arith.constant 2160 : index
    %get3A_633 = tpu.vector_load %arg5[%get3A_632] {strides = array<i32>} : memref<4096xf32, #tpu.memory_space<vmem>>, vector<16xf32>,
    %add3A_634 = arith.addf %add3A_631, %get3A_633 : vector<16xf32>
    %get3A_635 = arith.constant 2224 : index
    %get3A_636 = tpu.vector_load %arg5[%get3A_635] {strides = array<i32>} : memref<4096xf32, #tpu.memory_space<vmem>>, vector<16xf32>,
    %add3A_637 = arith.addf %add3A_634, %get3A_636 : vector<16xf32>
    %get3A_638 = arith.constant 2288 : index
    %get3A_639 = tpu.vector_load %arg5[%get3A_638] {strides = array<i32>} : memref<4096xf32, #tpu.memory_space<vmem>>, vector<16xf32>,
    %add3A_640 = arith.addf %add3A_637, %get3A_639 : vector<16xf32>
    %get3A_641 = arith.constant 2352 : index
    %get3A_642 = tpu.vector_load %arg5[%get3A_641] {strides = array<i32>} : memref<4096xf32, #tpu.memory_space<vmem>>, vector<16xf32>,
    %add3A_643 = arith.addf %add3A_640, %get3A_642 : vector<16xf32>
    %get3A_644 = arith.constant 2416 : index
    %get3A_645 = tpu.vector_load %arg5[%get3A_644] {strides = array<i32>} : memref<4096xf32, #tpu.memory_space<vmem>>, vector<16xf32>,
    %add3A_646 = arith.addf %add3A_643, %get3A_645 : vector<16xf32>
    %get3A_647 = arith.constant 2480 : index
    %get3A_648 = tpu.vector_load %arg5[%get3A_647] {strides = array<i32>} : memref<4096xf32, #tpu.memory_space<vmem>>, vector<16xf32>,
    %add3A_649 = arith.addf %add3A_646, %get3A_648 : vector<16xf32>
    %get3A_650 = arith.constant 2544 : index
    %get3A_651 = tpu.vector_load %arg5[%get3A_650] {strides = array<i32>} : memref<4096xf32, #tpu.memory_space<vmem>>, vector<16xf32>,
    %add3A_652 = arith.addf %add3A_649, %get3A_651 : vector<16xf32>
    %get3A_653 = arith.constant 2608 : index
    %get3A_654 = tpu.vector_load %arg5[%get3A_653] {strides = array<i32>} : memref<4096xf32, #tpu.memory_space<vmem>>, vector<16xf32>,
    %add3A_655 = arith.addf %add3A_652, %get3A_654 : vector<16xf32>
    %get3A_656 = arith.constant 2672 : index
    %get3A_657 = tpu.vector_load %arg5[%get3A_656] {strides = array<i32>} : memref<4096xf32, #tpu.memory_space<vmem>>, vector<16xf32>,
    %add3A_658 = arith.addf %add3A_655, %get3A_657 : vector<16xf32>
    %get3A_659 = arith.constant 2736 : index
    %get3A_660 = tpu.vector_load %arg5[%get3A_659] {strides = array<i32>} : memref<4096xf32, #tpu.memory_space<vmem>>, vector<16xf32>,
    %add3A_661 = arith.addf %add3A_658, %get3A_660 : vector<16xf32>
    %get3A_662 = arith.constant 2800 : index
    %get3A_663 = tpu.vector_load %arg5[%get3A_662] {strides = array<i32>} : memref<4096xf32, #tpu.memory_space<vmem>>, vector<16xf32>,
    %add3A_664 = arith.addf %add3A_661, %get3A_663 : vector<16xf32>
    %get3A_665 = arith.constant 2864 : index
    %get3A_666 = tpu.vector_load %arg5[%get3A_665] {strides = array<i32>} : memref<4096xf32, #tpu.memory_space<vmem>>, vector<16xf32>,
    %add3A_667 = arith.addf %add3A_664, %get3A_666 : vector<16xf32>
    %get3A_668 = arith.constant 2928 : index
    %get3A_669 = tpu.vector_load %arg5[%get3A_668] {strides = array<i32>} : memref<4096xf32, #tpu.memory_space<vmem>>, vector<16xf32>,
    %add3A_670 = arith.addf %add3A_667, %get3A_669 : vector<16xf32>
    %get3A_671 = arith.constant 2992 : index
    %get3A_672 = tpu.vector_load %arg5[%get3A_671] {strides = array<i32>} : memref<4096xf32, #tpu.memory_space<vmem>>, vector<16xf32>,
    %add3A_673 = arith.addf %add3A_670, %get3A_672 : vector<16xf32>
    %get3A_674 = arith.constant 3056 : index
    %get3A_675 = tpu.vector_load %arg5[%get3A_674] {strides = array<i32>} : memref<4096xf32, #tpu.memory_space<vmem>>, vector<16xf32>,
    %add3A_676 = arith.addf %add3A_673, %get3A_675 : vector<16xf32>
    %swap3A_677 = arith.constant 2 : i32
    %swap3A_678 = arith.index_cast %swap3A_677 : i32 to index
    %swap3A_679 = arith.constant 48 : index
    %swap3A_680 = tpu.vector_load %arg6[%swap3A_678, %swap3A_679] {strides = array<i32>} : memref<4x64xf32, #tpu.memory_space<vmem>>, vector<16xf32>,
    tpu.vector_store %arg6[%swap3A_678, %swap3A_679], %add3A_676 {strides = array<i32>} : memref<4x64xf32, #tpu.memory_space<vmem>>, vector<16xf32>,
    %get3A_681 = arith.constant 3072 : index
    %get3A_682 = tpu.vector_load %arg5[%get3A_681] {strides = array<i32>} : memref<4096xf32, #tpu.memory_space<vmem>>, vector<16xf32>,
    %add3A_683 = arith.addf %broadcast_in_dim3A_3, %get3A_682 : vector<16xf32>
    %get3A_684 = arith.constant 3136 : index
    %get3A_685 = tpu.vector_load %arg5[%get3A_684] {strides = array<i32>} : memref<4096xf32, #tpu.memory_space<vmem>>, vector<16xf32>,
    %add3A_686 = arith.addf %add3A_683, %get3A_685 : vector<16xf32>
    %get3A_687 = arith.constant 3200 : index
    %get3A_688 = tpu.vector_load %arg5[%get3A_687] {strides = array<i32>} : memref<4096xf32, #tpu.memory_space<vmem>>, vector<16xf32>,
    %add3A_689 = arith.addf %add3A_686, %get3A_688 : vector<16xf32>
    %get3A_690 = arith.constant 3264 : index
    %get3A_691 = tpu.vector_load %arg5[%get3A_690] {strides = array<i32>} : memref<4096xf32, #tpu.memory_space<vmem>>, vector<16xf32>,
    %add3A_692 = arith.addf %add3A_689, %get3A_691 : vector<16xf32>
    %get3A_693 = arith.constant 3328 : index
    %get3A_694 = tpu.vector_load %arg5[%get3A_693] {strides = array<i32>} : memref<4096xf32, #tpu.memory_space<vmem>>, vector<16xf32>,
    %add3A_695 = arith.addf %add3A_692, %get3A_694 : vector<16xf32>
    %get3A_696 = arith.constant 3392 : index
    %get3A_697 = tpu.vector_load %arg5[%get3A_696] {strides = array<i32>} : memref<4096xf32, #tpu.memory_space<vmem>>, vector<16xf32>,
    %add3A_698 = arith.addf %add3A_695, %get3A_697 : vector<16xf32>
    %get3A_699 = arith.constant 3456 : index
    %get3A_700 = tpu.vector_load %arg5[%get3A_699] {strides = array<i32>} : memref<4096xf32, #tpu.memory_space<vmem>>, vector<16xf32>,
    %add3A_701 = arith.addf %add3A_698, %get3A_700 : vector<16xf32>
    %get3A_702 = arith.constant 3520 : index
    %get3A_703 = tpu.vector_load %arg5[%get3A_702] {strides = array<i32>} : memref<4096xf32, #tpu.memory_space<vmem>>, vector<16xf32>,
    %add3A_704 = arith.addf %add3A_701, %get3A_703 : vector<16xf32>
    %get3A_705 = arith.constant 3584 : index
    %get3A_706 = tpu.vector_load %arg5[%get3A_705] {strides = array<i32>} : memref<4096xf32, #tpu.memory_space<vmem>>, vector<16xf32>,
    %add3A_707 = arith.addf %add3A_704, %get3A_706 : vector<16xf32>
    %get3A_708 = arith.constant 3648 : index
    %get3A_709 = tpu.vector_load %arg5[%get3A_708] {strides = array<i32>} : memref<4096xf32, #tpu.memory_space<vmem>>, vector<16xf32>,
    %add3A_710 = arith.addf %add3A_707, %get3A_709 : vector<16xf32>
    %get3A_711 = arith.constant 3712 : index
    %get3A_712 = tpu.vector_load %arg5[%get3A_711] {strides = array<i32>} : memref<4096xf32, #tpu.memory_space<vmem>>, vector<16xf32>,
    %add3A_713 = arith.addf %add3A_710, %get3A_712 : vector<16xf32>
    %get3A_714 = arith.constant 3776 : index
    %get3A_715 = tpu.vector_load %arg5[%get3A_714] {strides = array<i32>} : memref<4096xf32, #tpu.memory_space<vmem>>, vector<16xf32>,
    %add3A_716 = arith.addf %add3A_713, %get3A_715 : vector<16xf32>
    %get3A_717 = arith.constant 3840 : index
    %get3A_718 = tpu.vector_load %arg5[%get3A_717] {strides = array<i32>} : memref<4096xf32, #tpu.memory_space<vmem>>, vector<16xf32>,
    %add3A_719 = arith.addf %add3A_716, %get3A_718 : vector<16xf32>
    %get3A_720 = arith.constant 3904 : index
    %get3A_721 = tpu.vector_load %arg5[%get3A_720] {strides = array<i32>} : memref<4096xf32, #tpu.memory_space<vmem>>, vector<16xf32>,
    %add3A_722 = arith.addf %add3A_719, %get3A_721 : vector<16xf32>
    %get3A_723 = arith.constant 3968 : index
    %get3A_724 = tpu.vector_load %arg5[%get3A_723] {strides = array<i32>} : memref<4096xf32, #tpu.memory_space<vmem>>, vector<16xf32>,
    %add3A_725 = arith.addf %add3A_722, %get3A_724 : vector<16xf32>
    %get3A_726 = arith.constant 4032 : index
    %get3A_727 = tpu.vector_load %arg5[%get3A_726] {strides = array<i32>} : memref<4096xf32, #tpu.memory_space<vmem>>, vector<16xf32>,
    %add3A_728 = arith.addf %add3A_725, %get3A_727 : vector<16xf32>
    %swap3A_729 = arith.constant 3 : i32
    %swap3A_730 = arith.index_cast %swap3A_729 : i32 to index
    %swap3A_731 = arith.constant 0 : index
    %swap3A_732 = tpu.vector_load %arg6[%swap3A_730, %swap3A_731] {strides = array<i32>} : memref<4x64xf32, #tpu.memory_space<vmem>>, vector<16xf32>,
    tpu.vector_store %arg6[%swap3A_730, %swap3A_731], %add3A_728 {strides = array<i32>} : memref<4x64xf32, #tpu.memory_space<vmem>>, vector<16xf32>,
    %get3A_733 = arith.constant 3088 : index
    %get3A_734 = tpu.vector_load %arg5[%get3A_733] {strides = array<i32>} : memref<4096xf32, #tpu.memory_space<vmem>>, vector<16xf32>,
    %add3A_735 = arith.addf %broadcast_in_dim3A_3, %get3A_734 : vector<16xf32>
    %get3A_736 = arith.constant 3152 : index
    %get3A_737 = tpu.vector_load %arg5[%get3A_736] {strides = array<i32>} : memref<4096xf32, #tpu.memory_space<vmem>>, vector<16xf32>,
    %add3A_738 = arith.addf %add3A_735, %get3A_737 : vector<16xf32>
    %get3A_739 = arith.constant 3216 : index
    %get3A_740 = tpu.vector_load %arg5[%get3A_739] {strides = array<i32>} : memref<4096xf32, #tpu.memory_space<vmem>>, vector<16xf32>,
    %add3A_741 = arith.addf %add3A_738, %get3A_740 : vector<16xf32>
    %get3A_742 = arith.constant 3280 : index
    %get3A_743 = tpu.vector_load %arg5[%get3A_742] {strides = array<i32>} : memref<4096xf32, #tpu.memory_space<vmem>>, vector<16xf32>,
    %add3A_744 = arith.addf %add3A_741, %get3A_743 : vector<16xf32>
    %get3A_745 = arith.constant 3344 : index
    %get3A_746 = tpu.vector_load %arg5[%get3A_745] {strides = array<i32>} : memref<4096xf32, #tpu.memory_space<vmem>>, vector<16xf32>,
    %add3A_747 = arith.addf %add3A_744, %get3A_746 : vector<16xf32>
    %get3A_748 = arith.constant 3408 : index
    %get3A_749 = tpu.vector_load %arg5[%get3A_748] {strides = array<i32>} : memref<4096xf32, #tpu.memory_space<vmem>>, vector<16xf32>,
    %add3A_750 = arith.addf %add3A_747, %get3A_749 : vector<16xf32>
    %get3A_751 = arith.constant 3472 : index
    %get3A_752 = tpu.vector_load %arg5[%get3A_751] {strides = array<i32>} : memref<4096xf32, #tpu.memory_space<vmem>>, vector<16xf32>,
    %add3A_753 = arith.addf %add3A_750, %get3A_752 : vector<16xf32>
    %get3A_754 = arith.constant 3536 : index
    %get3A_755 = tpu.vector_load %arg5[%get3A_754] {strides = array<i32>} : memref<4096xf32, #tpu.memory_space<vmem>>, vector<16xf32>,
    %add3A_756 = arith.addf %add3A_753, %get3A_755 : vector<16xf32>
    %get3A_757 = arith.constant 3600 : index
    %get3A_758 = tpu.vector_load %arg5[%get3A_757] {strides = array<i32>} : memref<4096xf32, #tpu.memory_space<vmem>>, vector<16xf32>,
    %add3A_759 = arith.addf %add3A_756, %get3A_758 : vector<16xf32>
    %get3A_760 = arith.constant 3664 : index
    %get3A_761 = tpu.vector_load %arg5[%get3A_760] {strides = array<i32>} : memref<4096xf32, #tpu.memory_space<vmem>>, vector<16xf32>,
    %add3A_762 = arith.addf %add3A_759, %get3A_761 : vector<16xf32>
    %get3A_763 = arith.constant 3728 : index
    %get3A_764 = tpu.vector_load %arg5[%get3A_763] {strides = array<i32>} : memref<4096xf32, #tpu.memory_space<vmem>>, vector<16xf32>,
    %add3A_765 = arith.addf %add3A_762, %get3A_764 : vector<16xf32>
    %get3A_766 = arith.constant 3792 : index
    %get3A_767 = tpu.vector_load %arg5[%get3A_766] {strides = array<i32>} : memref<4096xf32, #tpu.memory_space<vmem>>, vector<16xf32>,
    %add3A_768 = arith.addf %add3A_765, %get3A_767 : vector<16xf32>
    %get3A_769 = arith.constant 3856 : index
    %get3A_770 = tpu.vector_load %arg5[%get3A_769] {strides = array<i32>} : memref<4096xf32, #tpu.memory_space<vmem>>, vector<16xf32>,
    %add3A_771 = arith.addf %add3A_768, %get3A_770 : vector<16xf32>
    %get3A_772 = arith.constant 3920 : index
    %get3A_773 = tpu.vector_load %arg5[%get3A_772] {strides = array<i32>} : memref<4096xf32, #tpu.memory_space<vmem>>, vector<16xf32>,
    %add3A_774 = arith.addf %add3A_771, %get3A_773 : vector<16xf32>
    %get3A_775 = arith.constant 3984 : index
    %get3A_776 = tpu.vector_load %arg5[%get3A_775] {strides = array<i32>} : memref<4096xf32, #tpu.memory_space<vmem>>, vector<16xf32>,
    %add3A_777 = arith.addf %add3A_774, %get3A_776 : vector<16xf32>
    %get3A_778 = arith.constant 4048 : index
    %get3A_779 = tpu.vector_load %arg5[%get3A_778] {strides = array<i32>} : memref<4096xf32, #tpu.memory_space<vmem>>, vector<16xf32>,
    %add3A_780 = arith.addf %add3A_777, %get3A_779 : vector<16xf32>
    %swap3A_781 = arith.constant 3 : i32
    %swap3A_782 = arith.index_cast %swap3A_781 : i32 to index
    %swap3A_783 = arith.constant 16 : index
    %swap3A_784 = tpu.vector_load %arg6[%swap3A_782, %swap3A_783] {strides = array<i32>} : memref<4x64xf32, #tpu.memory_space<vmem>>, vector<16xf32>,
    tpu.vector_store %arg6[%swap3A_782, %swap3A_783], %add3A_780 {strides = array<i32>} : memref<4x64xf32, #tpu.memory_space<vmem>>, vector<16xf32>,
    %get3A_785 = arith.constant 3104 : index
    %get3A_786 = tpu.vector_load %arg5[%get3A_785] {strides = array<i32>} : memref<4096xf32, #tpu.memory_space<vmem>>, vector<16xf32>,
    %add3A_787 = arith.addf %broadcast_in_dim3A_3, %get3A_786 : vector<16xf32>
    %get3A_788 = arith.constant 3168 : index
    %get3A_789 = tpu.vector_load %arg5[%get3A_788] {strides = array<i32>} : memref<4096xf32, #tpu.memory_space<vmem>>, vector<16xf32>,
    %add3A_790 = arith.addf %add3A_787, %get3A_789 : vector<16xf32>
    %get3A_791 = arith.constant 3232 : index
    %get3A_792 = tpu.vector_load %arg5[%get3A_791] {strides = array<i32>} : memref<4096xf32, #tpu.memory_space<vmem>>, vector<16xf32>,
    %add3A_793 = arith.addf %add3A_790, %get3A_792 : vector<16xf32>
    %get3A_794 = arith.constant 3296 : index
    %get3A_795 = tpu.vector_load %arg5[%get3A_794] {strides = array<i32>} : memref<4096xf32, #tpu.memory_space<vmem>>, vector<16xf32>,
    %add3A_796 = arith.addf %add3A_793, %get3A_795 : vector<16xf32>
    %get3A_797 = arith.constant 3360 : index
    %get3A_798 = tpu.vector_load %arg5[%get3A_797] {strides = array<i32>} : memref<4096xf32, #tpu.memory_space<vmem>>, vector<16xf32>,
    %add3A_799 = arith.addf %add3A_796, %get3A_798 : vector<16xf32>
    %get3A_800 = arith.constant 3424 : index
    %get3A_801 = tpu.vector_load %arg5[%get3A_800] {strides = array<i32>} : memref<4096xf32, #tpu.memory_space<vmem>>, vector<16xf32>,
    %add3A_802 = arith.addf %add3A_799, %get3A_801 : vector<16xf32>
    %get3A_803 = arith.constant 3488 : index
    %get3A_804 = tpu.vector_load %arg5[%get3A_803] {strides = array<i32>} : memref<4096xf32, #tpu.memory_space<vmem>>, vector<16xf32>,
    %add3A_805 = arith.addf %add3A_802, %get3A_804 : vector<16xf32>
    %get3A_806 = arith.constant 3552 : index
    %get3A_807 = tpu.vector_load %arg5[%get3A_806] {strides = array<i32>} : memref<4096xf32, #tpu.memory_space<vmem>>, vector<16xf32>,
    %add3A_808 = arith.addf %add3A_805, %get3A_807 : vector<16xf32>
    %get3A_809 = arith.constant 3616 : index
    %get3A_810 = tpu.vector_load %arg5[%get3A_809] {strides = array<i32>} : memref<4096xf32, #tpu.memory_space<vmem>>, vector<16xf32>,
    %add3A_811 = arith.addf %add3A_808, %get3A_810 : vector<16xf32>
    %get3A_812 = arith.constant 3680 : index
    %get3A_813 = tpu.vector_load %arg5[%get3A_812] {strides = array<i32>} : memref<4096xf32, #tpu.memory_space<vmem>>, vector<16xf32>,
    %add3A_814 = arith.addf %add3A_811, %get3A_813 : vector<16xf32>
    %get3A_815 = arith.constant 3744 : index
    %get3A_816 = tpu.vector_load %arg5[%get3A_815] {strides = array<i32>} : memref<4096xf32, #tpu.memory_space<vmem>>, vector<16xf32>,
    %add3A_817 = arith.addf %add3A_814, %get3A_816 : vector<16xf32>
    %get3A_818 = arith.constant 3808 : index
    %get3A_819 = tpu.vector_load %arg5[%get3A_818] {strides = array<i32>} : memref<4096xf32, #tpu.memory_space<vmem>>, vector<16xf32>,
    %add3A_820 = arith.addf %add3A_817, %get3A_819 : vector<16xf32>
    %get3A_821 = arith.constant 3872 : index
    %get3A_822 = tpu.vector_load %arg5[%get3A_821] {strides = array<i32>} : memref<4096xf32, #tpu.memory_space<vmem>>, vector<16xf32>,
    %add3A_823 = arith.addf %add3A_820, %get3A_822 : vector<16xf32>
    %get3A_824 = arith.constant 3936 : index
    %get3A_825 = tpu.vector_load %arg5[%get3A_824] {strides = array<i32>} : memref<4096xf32, #tpu.memory_space<vmem>>, vector<16xf32>,
    %add3A_826 = arith.addf %add3A_823, %get3A_825 : vector<16xf32>
    %get3A_827 = arith.constant 4000 : index
    %get3A_828 = tpu.vector_load %arg5[%get3A_827] {strides = array<i32>} : memref<4096xf32, #tpu.memory_space<vmem>>, vector<16xf32>,
    %add3A_829 = arith.addf %add3A_826, %get3A_828 : vector<16xf32>
    %get3A_830 = arith.constant 4064 : index
    %get3A_831 = tpu.vector_load %arg5[%get3A_830] {strides = array<i32>} : memref<4096xf32, #tpu.memory_space<vmem>>, vector<16xf32>,
    %add3A_832 = arith.addf %add3A_829, %get3A_831 : vector<16xf32>
    %swap3A_833 = arith.constant 3 : i32
    %swap3A_834 = arith.index_cast %swap3A_833 : i32 to index
    %swap3A_835 = arith.constant 32 : index
    %swap3A_836 = tpu.vector_load %arg6[%swap3A_834, %swap3A_835] {strides = array<i32>} : memref<4x64xf32, #tpu.memory_space<vmem>>, vector<16xf32>,
    tpu.vector_store %arg6[%swap3A_834, %swap3A_835], %add3A_832 {strides = array<i32>} : memref<4x64xf32, #tpu.memory_space<vmem>>, vector<16xf32>,
    %get3A_837 = arith.constant 3120 : index
    %get3A_838 = tpu.vector_load %arg5[%get3A_837] {strides = array<i32>} : memref<4096xf32, #tpu.memory_space<vmem>>, vector<16xf32>,
    %add3A_839 = arith.addf %broadcast_in_dim3A_3, %get3A_838 : vector<16xf32>
    %get3A_840 = arith.constant 3184 : index
    %get3A_841 = tpu.vector_load %arg5[%get3A_840] {strides = array<i32>} : memref<4096xf32, #tpu.memory_space<vmem>>, vector<16xf32>,
    %add3A_842 = arith.addf %add3A_839, %get3A_841 : vector<16xf32>
    %get3A_843 = arith.constant 3248 : index
    %get3A_844 = tpu.vector_load %arg5[%get3A_843] {strides = array<i32>} : memref<4096xf32, #tpu.memory_space<vmem>>, vector<16xf32>,
    %add3A_845 = arith.addf %add3A_842, %get3A_844 : vector<16xf32>
    %get3A_846 = arith.constant 3312 : index
    %get3A_847 = tpu.vector_load %arg5[%get3A_846] {strides = array<i32>} : memref<4096xf32, #tpu.memory_space<vmem>>, vector<16xf32>,
    %add3A_848 = arith.addf %add3A_845, %get3A_847 : vector<16xf32>
    %get3A_849 = arith.constant 3376 : index
    %get3A_850 = tpu.vector_load %arg5[%get3A_849] {strides = array<i32>} : memref<4096xf32, #tpu.memory_space<vmem>>, vector<16xf32>,
    %add3A_851 = arith.addf %add3A_848, %get3A_850 : vector<16xf32>
    %get3A_852 = arith.constant 3440 : index
    %get3A_853 = tpu.vector_load %arg5[%get3A_852] {strides = array<i32>} : memref<4096xf32, #tpu.memory_space<vmem>>, vector<16xf32>,
    %add3A_854 = arith.addf %add3A_851, %get3A_853 : vector<16xf32>
    %get3A_855 = arith.constant 3504 : index
    %get3A_856 = tpu.vector_load %arg5[%get3A_855] {strides = array<i32>} : memref<4096xf32, #tpu.memory_space<vmem>>, vector<16xf32>,
    %add3A_857 = arith.addf %add3A_854, %get3A_856 : vector<16xf32>
    %get3A_858 = arith.constant 3568 : index
    %get3A_859 = tpu.vector_load %arg5[%get3A_858] {strides = array<i32>} : memref<4096xf32, #tpu.memory_space<vmem>>, vector<16xf32>,
    %add3A_860 = arith.addf %add3A_857, %get3A_859 : vector<16xf32>
    %get3A_861 = arith.constant 3632 : index
    %get3A_862 = tpu.vector_load %arg5[%get3A_861] {strides = array<i32>} : memref<4096xf32, #tpu.memory_space<vmem>>, vector<16xf32>,
    %add3A_863 = arith.addf %add3A_860, %get3A_862 : vector<16xf32>
    %get3A_864 = arith.constant 3696 : index
    %get3A_865 = tpu.vector_load %arg5[%get3A_864] {strides = array<i32>} : memref<4096xf32, #tpu.memory_space<vmem>>, vector<16xf32>,
    %add3A_866 = arith.addf %add3A_863, %get3A_865 : vector<16xf32>
    %get3A_867 = arith.constant 3760 : index
    %get3A_868 = tpu.vector_load %arg5[%get3A_867] {strides = array<i32>} : memref<4096xf32, #tpu.memory_space<vmem>>, vector<16xf32>,
    %add3A_869 = arith.addf %add3A_866, %get3A_868 : vector<16xf32>
    %get3A_870 = arith.constant 3824 : index
    %get3A_871 = tpu.vector_load %arg5[%get3A_870] {strides = array<i32>} : memref<4096xf32, #tpu.memory_space<vmem>>, vector<16xf32>,
    %add3A_872 = arith.addf %add3A_869, %get3A_871 : vector<16xf32>
    %get3A_873 = arith.constant 3888 : index
    %get3A_874 = tpu.vector_load %arg5[%get3A_873] {strides = array<i32>} : memref<4096xf32, #tpu.memory_space<vmem>>, vector<16xf32>,
    %add3A_875 = arith.addf %add3A_872, %get3A_874 : vector<16xf32>
    %get3A_876 = arith.constant 3952 : index
    %get3A_877 = tpu.vector_load %arg5[%get3A_876] {strides = array<i32>} : memref<4096xf32, #tpu.memory_space<vmem>>, vector<16xf32>,
    %add3A_878 = arith.addf %add3A_875, %get3A_877 : vector<16xf32>
    %get3A_879 = arith.constant 4016 : index
    %get3A_880 = tpu.vector_load %arg5[%get3A_879] {strides = array<i32>} : memref<4096xf32, #tpu.memory_space<vmem>>, vector<16xf32>,
    %add3A_881 = arith.addf %add3A_878, %get3A_880 : vector<16xf32>
    %get3A_882 = arith.constant 4080 : index
    %get3A_883 = tpu.vector_load %arg5[%get3A_882] {strides = array<i32>} : memref<4096xf32, #tpu.memory_space<vmem>>, vector<16xf32>,
    %add3A_884 = arith.addf %add3A_881, %get3A_883 : vector<16xf32>
    %swap3A_885 = arith.constant 3 : i32
    %swap3A_886 = arith.index_cast %swap3A_885 : i32 to index
    %swap3A_887 = arith.constant 48 : index
    %swap3A_888 = tpu.vector_load %arg6[%swap3A_886, %swap3A_887] {strides = array<i32>} : memref<4x64xf32, #tpu.memory_space<vmem>>, vector<16xf32>,
    tpu.vector_store %arg6[%swap3A_886, %swap3A_887], %add3A_884 {strides = array<i32>} : memref<4x64xf32, #tpu.memory_space<vmem>>, vector<16xf32>,
    "tpu.region"() ({
      %run_scoped3A = tpu.sem_alloc : memref<!tpu.dma_semaphore, #tpu.memory_space<semaphore_mem>>
      %dma_start3A = arith.constant 0 : i32
      %dma_start3A_889 = tpu.memref_slice %arg3[%mul3A_2, %dma_start3A] : memref<128x64xf32, #tpu.memory_space<hbm>> -> memref<4x64xf32, #tpu.memory_space<hbm>>
      %dma_start3A_890 = arith.constant 0 : i32
      %dma_start3A_891 = tpu.memref_slice %arg3[%mul3A_2, %dma_start3A_890] : memref<128x64xf32, #tpu.memory_space<hbm>> -> memref<4x64xf32, #tpu.memory_space<hbm>>
      tpu.enqueue_dma source(%arg6 : memref<4x64xf32, #tpu.memory_space<vmem>>) target(%dma_start3A_891 : memref<4x64xf32, #tpu.memory_space<hbm>>) target_semaphore(%run_scoped3A : memref<!tpu.dma_semaphore, #tpu.memory_space<semaphore_mem>>)
      %dma_wait3A = arith.constant 0 : i32
      %dma_wait3A_892 = tpu.memref_slice %arg3[%mul3A_2, %dma_wait3A] : memref<128x64xf32, #tpu.memory_space<hbm>> -> memref<4x64xf32, #tpu.memory_space<hbm>>
      %dma_wait3A_893 = arith.constant 0 : i32
      %dma_wait3A_894 = tpu.memref_slice %arg3[%mul3A_2, %dma_wait3A_893] : memref<128x64xf32, #tpu.memory_space<hbm>> -> memref<4x64xf32, #tpu.memory_space<hbm>>
      tpu.wait_dma2 semaphore(%run_scoped3A : memref<!tpu.dma_semaphore, #tpu.memory_space<semaphore_mem>>) src(%arg6 : memref<4x64xf32, #tpu.memory_space<vmem>>) dst(%dma_wait3A_894 : memref<4x64xf32, #tpu.memory_space<hbm>>)
      tpu.yield
    }) : () -> ()
    return
  }
}

</mosaic_0001>

<sc_bundles>
// kernel: kernel.3.cloned.1.call-start
scs
__scs_entry_jumppad:
0x0: {  	(pc) =	sbr.rel $0x88, $3  }
0x1: {  	(tag) =	ssettag $0x0;
	lr =	simm.s32 $0x1  }
0x2: {  	[smem:$0x3FA0] =	sst lr;
	_ =	strace $0xD0000000  }
0x3: {  	_ = 	snop  }
0x4: {  	_ = 	snop  }
0x5: {  	_ = 	snop  }
0x6: {  	_ = 	snop  }
0x7: {  	_ = 	snop  }
__scs_overlays_trampoline_lowered:
0x8: {  	[smem:$0x3FAF] =	sst s0  }
0x9: {  	[smem:$0x3FB0] =	sst s1  }
0xa: {  	[smem:$0x3FB1] =	sst s2  }
0xb: {  	[smem:$0x3FB2] =	sst s3  }
0xc: {  	[smem:$0x3FB3] =	sst s4  }
0xd: {  	[smem:$0x3FB4] =	sst s5  }
0xe: {  	[smem:$0x3FB5] =	sst s6  }
0xf: {  	[smem:$0x3FB6] =	sst s7  }
0x10: {  	[smem:$0x3FB7] =	sst s8  }
0x11: {  	[smem:$0x3FB8] =	sst s9;
	s0 =	simm.s32 @!p0 $0x0  }
0x12: {  	s1 =	sld [smem:$0x3F9E];
	s0 =	simm.s32 @p0 $0x1  }
0x13: {  	[smem:$0x3FB9] =	sst s0;
	s0 =	simm.s32 @!p1 $0x0  }
0x14: {  	s2 =	sld [smem:$0x3F9D];
	s0 =	simm.s32 @p1 $0x1  }
0x15: {  	[smem:$0x3FBA] =	sst s0;
	s0 =	simm.s32 @!p2 $0x0  }
0x16: {  	s3 =	sld [smem:$0x3FDB];
	s0 =	simm.s32 @p2 $0x1  }
0x17: {  	s4 =	simm.s32 $0x1BF5;
	[smem:$0x3FBC] =	sst s0  }
0x18: {  	s0 =	sld [smem:$0x3F9F];
	_ =	swait.ge [sflag:s4], $0x0  }
0x19: {  	s7 =	sld [smem:$0x3FA0]  }
0x1a: {  	s8 =	sadd.s32 $0xFFFFE003, lr  }
0x1b: {  	s9 =	sadd.s32 $0xFFFFFEF7, lr;
	s5 =	simm.s32 $0xFFFFFFFF;
	p2 =	slt.u32 s8, $0xFFFFF086  }
0x1c: {  	p1 =	slt.u32 s9, $0xF7A;
	s5 =	simm.s32 @!p2 $0x0  }
0x1d: {  	s5 =	simm.s32 @p1 $0x1;
	p0 =	seq.s32 s7, s2  }
0x1e: {  	s7 =	smul.u32 @!p0 $0xF7A, s2;
	p2 =	seq.s32 @!p0 s5, $0x0  }
0x1f: {  	s9 =	smul.u32 $0xF7A, s1;
	s8 =	simm.s32 @!p0 $0x1BF5;
	p2 =	por !p2, p0  }
0x20: {  	[sflag:s8] =	ssyncset.s32 @!p0 $0xFFFFF086;
	s6 =	sadd.s32 @!p0 s3, s7;
	s7 =	simm.s32 @!p0 $0x108  }
0x21: {  	s3 =	sadd.s32 s3, s9;
	s6 =	sadd.s32 @!p0 $0x88, s6;
	s7 =	simm.s32 @p2 $0x1082  }
0x22: {  	[simem:s7], [sflag:s8] =	dma.local @!p0 [hbm:s6], $0xF7A  }
0x23: {  	s9 =	sor.u32 $0xD0000000, s2;
	s6 =	simm.s32 $0x108;
	_ =	swait.ge @!p0 [sflag:s8], $0x0  }
0x24: {  	s3 =	sadd.s32 $0x88, s3;
	s6 =	simm.s32 @!p1 $0x1082;
	[sflag:s4] =	ssyncset.s32 $0xFFFFF086  }
0x25: {  	[simem:s6], [sflag:s4] =	dma.local [hbm:s3], $0xF7A  }
0x26: {  	[smem:$0x3FA0] =	sst s1;
	(tag) =	ssettag s2;
	_ =	strace s9  }
0x27: {  	s1 =	sld [smem:$0x3FB0]  }
0x28: {  	s2 =	sld [smem:$0x3FB1]  }
0x29: {  	s4 =	sld [smem:$0x3FB3]  }
0x2a: {  	p0 =	seq.s32 s5, $0x0;
	s5 =	sld [smem:$0x3FB4]  }
0x2b: {  	s6 =	sld [smem:$0x3FB5]  }
0x2c: {  	s7 =	sld [smem:$0x3FB6]  }
0x2d: {  	s3 =	simm.s32 $0x108;
	s8 =	sld [smem:$0x3FB7]  }
0x2e: {  	s3 =	simm.s32 @!p0 $0x1082;
	s9 =	sld [smem:$0x3FB8]  }
0x2f: {  	lr =	sadd.s32 s0, s3;
	s0 =	sld [smem:$0x3FAF]  }
0x30: {  	s3 =	sld [smem:$0x3FB2]  }
0x31: {  	[smem:$0x3FBB] =	sst s10  }
0x32: {  	s10 =	sld [smem:$0x3FB9];
	_ =	sdelay $0x3  }
0x33: {  	p0 =	seq.s32 s10, $0x1;
	s10 =	sld [smem:$0x3FBB];
	_ =	sdelay $0x3  }
0x34: {  	[smem:$0x3FBB] =	sst s10  }
0x35: {  	s10 =	sld [smem:$0x3FBA];
	_ =	sdelay $0x3  }
0x36: {  	p1 =	seq.s32 s10, $0x1;
	s10 =	sld [smem:$0x3FBB];
	_ =	sdelay $0x3  }
0x37: {  	[smem:$0x3FBB] =	sst s10  }
0x38: {  	s10 =	sld [smem:$0x3FBC]  }
0x39: {  	_ = 	snop;
	(pc) =	sbr.ind lr, $3  }
0x3a: {  	_ = 	snop  }
0x3b: {  	_ = 	snop  }
0x3c: {  	p2 =	seq.s32 s10, $0x1;
	s10 =	sld [smem:$0x3FBB]  }
0x3d: {  	_ =	shalt  }
0x3e: {  	_ =	shalt  }
0x3f: {  	_ =	shalt  }
0x40: {  	_ =	shalt  }
0x41: {  	_ =	shalt  }
0x42: {  	_ =	shalt  }
0x43: {  	_ =	shalt  }
0x44: {  	_ =	shalt  }
0x45: {  	_ =	shalt  }
0x46: {  	_ =	shalt  }
0x47: {  	_ =	shalt  }
0x48: {  	_ =	shalt  }
0x49: {  	_ =	shalt  }
0x4a: {  	_ =	shalt  }
0x4b: {  	_ =	shalt  }
0x4c: {  	_ =	shalt  }
0x4d: {  	_ =	shalt  }
0x4e: {  	_ =	shalt  }
0x4f: {  	_ =	shalt  }
0x50: {  	_ =	shalt  }
0x51: {  	_ =	shalt  }
0x52: {  	_ =	shalt  }
0x53: {  	_ =	shalt  }
0x54: {  	_ =	shalt  }
0x55: {  	_ =	shalt  }
0x56: {  	_ =	shalt  }
0x57: {  	_ =	shalt  }
0x58: {  	_ =	shalt  }
0x59: {  	_ =	shalt  }
0x5a: {  	_ =	shalt  }
0x5b: {  	_ =	shalt  }
0x5c: {  	_ =	shalt  }
0x5d: {  	_ =	shalt  }
0x5e: {  	_ =	shalt  }
0x5f: {  	_ =	shalt  }
0x60: {  	_ =	shalt  }
0x61: {  	_ =	shalt  }
0x62: {  	_ =	shalt  }
0x63: {  	_ =	shalt  }
0x64: {  	_ =	shalt  }
0x65: {  	_ =	shalt  }
0x66: {  	_ =	shalt  }
0x67: {  	_ =	shalt  }
0x68: {  	_ =	shalt  }
0x69: {  	_ =	shalt  }
0x6a: {  	_ =	shalt  }
0x6b: {  	_ =	shalt  }
0x6c: {  	_ =	shalt  }
0x6d: {  	_ =	shalt  }
0x6e: {  	_ =	shalt  }
0x6f: {  	_ =	shalt  }
0x70: {  	_ =	shalt  }
0x71: {  	_ =	shalt  }
0x72: {  	_ =	shalt  }
0x73: {  	_ =	shalt  }
0x74: {  	_ =	shalt  }
0x75: {  	_ =	shalt  }
0x76: {  	_ =	shalt  }
0x77: {  	_ =	shalt  }
0x78: {  	_ =	shalt  }
0x79: {  	_ =	shalt  }
0x7a: {  	_ =	shalt  }
0x7b: {  	_ =	shalt  }
0x7c: {  	_ =	shalt  }
0x7d: {  	_ =	shalt  }
0x7e: {  	_ =	shalt  }
0x7f: {  	_ =	shalt  }
0x80: {  	_ =	shalt  }
0x81: {  	_ =	shalt  }
0x82: {  	_ =	shalt  }
0x83: {  	_ =	shalt  }
0x84: {  	_ =	shalt  }
0x85: {  	_ =	shalt  }
0x86: {  	_ =	shalt  }
0x87: {  	_ =	shalt  }
.Lfunc_end0:
.L_simem_size_0:
called_computation_lowered:
.L_overlay_start_0:
0x88: {  	s2 =	sld [smem:$0x3FD9]  }
0x89: {  	s3 =	sld [smem:$0x3FFE];
	_ =	sdelay $0x1  }
0x8a: {  	s1 =	srdreg.scid  }
0x8b: {  	s0 =	sand.u32 $0x1, s1  }
0x8c: {  	s17 =	sshll.u32 s0, $0xA;
	s2 =	sadd.s32 s3, s2  }
0x8d: {  	s2 =	sadd.s32 s2, s17  }
0x8e: {  	[smem:$0x3FC7] =	sst s2  }
0x8f: {  	_ = 	snop  }
0x90: {  	s2 =	sld [smem:$0x3FC9];
	(tm) =	ssettm $0x1  }
0x91: {  	s18 =	sld [smem:$0x3FFB];
	_ =	sdelay $0x3  }
0x92: {  	_ =	strace s18  }
0x93: {  	s3 =	sld [smem:$0x3FFC];
	_ =	sdelay $0x3  }
0x94: {  	_ =	strace s3  }
0x95: {  	s3 =	sld [smem:$0x3FFD];
	_ =	sdelay $0x3  }
0x96: {  	_ =	strace s3  }
0x97: {  	_ =	strace $0x8FFFFFFF  }
0x98: {  	s19 =	sld [smem:$0x3FDB];
	_ =	sdelay $0x1  }
0x99: {  	s4 =	simm.s32 $_scs_section_size  }
0x9a: {  	s5 =	simm.s32 $_size__tile_overlayer_lowered;
	s6 =	simm.s32 $_tile_overlayer_lowered  }
0x9b: {  	s22 =	simm.s32 $0x1BFF;
	s21 =	sshll.u32 s6, $0x1;
	s3 =	sadd.s32 s4, s19  }
0x9c: {  	s7 =	simm.s32 $0x0;
	s20 =	sshll.u32 s5, $0x1;
	s5 =	sadd.s32 s21, s3  }
0x9d: {  	[timem:s7], [sflag:s22] =	dma.local [hbm:s5], s20  }
0x9e: {  	_ =	swait.ge [sflag:s22], s20  }
0x9f: {  	s4 =	ssub.s32 $0x0, s20;
	[sflag:s22] =	ssyncset.done $0x0  }
0xa0: {  	[sflag:s22] =	ssyncadd.s32 s4;
	_ =	sdelay $0x1  }
0xa1: {  	s23 =	simm.s32 $0x1B8B  }
0xa2: {  	_ =	swait.ge [sflag:s23], $0x1  }
0xa3: {  	[sflag:s23] =	ssyncset.done $0x0  }
0xa4: {  	s25 =	simm.s32 $0x1B8E;
	s24 =	sld [smem:$0x3FFE];
	[sflag:s23] =	ssyncadd.s32 $0xFFFFFFFF  }
0xa5: {  	s26 =	simm.s32 $execute0_lowered;
	[smem:$0x3FD2] =	sst s25  }
0xa6: {  	s5 =	sshll.u32 s26, $0x1;
	_ =	strace $0x80000046;
	[dreg:$0x1] =	wrdreg $0xFFFFFFFF  }
0xa7: {  	s28 =	simm.s32 $_size_execute0_lowered;
	s3 =	sadd.s32 s3, s5;
	[dreg:$0x0] =	wrdreg $0x0  }
0xa8: {  	s5 =	sshll.u32 s28, $0x1;
	[dreg:$0x2] =	wrdreg s3  }
0xa9: {  	[dreg:$0x3] =	wrdreg s5  }
0xaa: {  	[dreg:$0x4] =	wrdreg $0xC0  }
0xab: {  	_ =	task [dreg:s7], $0x5FFFF  }
0xac: {  	[dreg:$0x1] =	wrdreg $0xFFFFFFFF  }
0xad: {  	[dreg:$0x0] =	wrdreg $0x60  }
0xae: {  	[dreg:$0x2] =	wrdreg s2  }
0xaf: {  	[dreg:$0x3] =	wrdreg s24  }
0xb0: {  	[dreg:$0x4] =	wrdreg $0x9  }
0xb1: {  	_ =	task.clear_ibuf [dreg:s7], $0x5FFFF;
	_ =	strace $0x90000046  }
0xb2: {  	s29 =	simm.s32 $0x9;
	_ =	strace $0x80000048  }
0xb3: {  	_ =	swait.ge [sflag:s29], $0x1  }
0xb4: {  	[sflag:s29] =	ssyncadd.s32 $0xFFFFFFFF  }
0xb5: {  	_ =	strace $0x90000048  }
0xb6: {  	_ =	sfence  }
0xb7: {  	s30 =	sld [smem:$0x0];
	_ =	sdelay $0x2  }
0xb8: {  	s31 =	sshll.u32 s1, $0xD;
	s1 =	sshrl.u32 s1, $0x2  }
0xb9: {  	s3 =	sand.u32 $0x4000, s31;
	s1 =	sadd.s32 s1, s30  }
0xba: {  	s0 =	sor.u32 s3, s0;
	s1 =	sshll.u32 s1, $0x11  }
0xbb: {  	s0 =	sor.u32 s1, s0  }
0xbc: {  	s0 =	sadd.s32 $0x8F2B, s0  }
0xbd: {  	[sflag:s0] =	ssyncadd.remote.s32 $0x1  }
0xbe: {  	_ =	sfence.sel $0xFFFF  }
0xbf: {  	[dreg:$0x0] =	wrdreg $0xFFFFFFFF;
	(pc) =	sbr.abs _section_cstart, $3  }
0xc0: {  	[dreg:$0x1] =	wrdreg $0xFFFFFFFF  }
0xc1: {  	_ =	task.clear_ibuf [dreg:s7], $0x2FFFF;
	_ =	strace $0x9FFFFFFF  }
0xc2: {  	(tm) =	ssettm $0x7FFFFFFF  }
0xc3: {  	_ =	shalt  }
tec
execute0_lowered:
.L_overlay_start_1:
0x0: {  	(tag) =	ssettag $0x1  }
0x1: {  	s3 =	rddreg [dreg:$0x0]  }
0x2: {  	s4 =	rddreg [dreg:$0x1]  }
0x3: {  	s0 =	rddreg [dreg:$0x2];
	s2 =	simm.s32 $0x0;
	s5 =	srdreg.scid  }
0x4: {  	s1 =	stileid.u32;
	s10 =	simm.s32 $0x3000;
	s11 =	simm.s32 $0x0  }
0x5: {  	[smem:$0x7FF] =	sst s2;
	s5 =	sand.u32 $0x1, s5;
	s7 =	sshll.u32 s1, $0xA  }
0x6: {  	s8 =	sshll.u32 s1, $0xE;
	s6 =	sshll.u32 s5, $0x9;
	s5 =	ssub.s32 $0x2, s5  }
0x7: {  	_ =	strace $0x80000047;
	s7 =	sor.u32 s6, s7;
	s9 =	sshrl.u32 s5, $0x1  }
0x8: {  	v0 =	vlaneseq.u32;
	s6 =	sor.u32 s6, s8;
	s8 =	simm.s32 $0x1;
	s7 =	sshrl.u32 s7, $0x3  }
0x9: {  	v0 =	vmul.u32 $0x40, v0;
	s5 =	ssub.s32 s5, s9;
	s6 =	sshrl.u32 s6, $0x3;
	s9 =	simm.s32 $0x2000  }
0xa: {  	v1 =	vimm.f32 $0.0e+00;
	v2 =	vimm.f32 $1.000000000e+00;
	s4 =	sadd.s32 s7, s4;
	s3 =	sadd.s32 s3, s6;
	s5 =	smax.u32 s5, $0x1  }
0xb: {  	v3 =	vor.u32 $0x400, v0;
	v4 =	vor.u32 $0x800, v0;
	v5 =	vor.u32 $0xC00, v0;
	s6 =	simm.s32 $0x200;
	s7 =	simm.s32 $0x400;
	s4 =	sadd.s32 $0x400, s4  }
.LBB2_1:
0xc: {  	[tilespmem:s2], [sflag:$0x1] =	stream.strided.gather [hbm4b:s3+s6], $0x2000, s7, s6, $0x38;
	[tilespmem:$0x3200] =	vst v63  }
0xd: {  	_ =	swait.ge [sflag:s8], $0x2000  }
0xe: {  	[sflag:s8] =	ssyncset.done $0x0  }
0xf: {  	s12 =	simm.s32 $0x2040;
	[sflag:s8] =	ssyncadd.s32 $0xFFFFE000  }
0x10: {  	[tilespmem:s12+$0xFFFFFFC0] =	vst v1  }
0x11: {  	[tilespmem:s12+$0x30] =	vst v1  }
0x12: {  	[tilespmem:s12+$0x20] =	vst v1  }
0x13: {  	[tilespmem:s12+$0x10] =	vst v1  }
0x14: {  	[tilespmem:s12+$0x0] =	vst v1  }
0x15: {  	[tilespmem:s12+$0xFFFFFFF0] =	vst v1  }
0x16: {  	s13 =	simm.s32 $0xFFFFFFF8;
	s15 =	simm.s32 $0x0;
	[tilespmem:s12+$0xFFFFFFE0] =	vst v1  }
.LBB2_2:
0x17: {  	s15 =	sadd.s32 $0x8, s15;
	[tilespmem:s12+$0xFFFFFFD0] =	vst v1;
	s12 =	sadd.s32 $0x80, s12;
	s14 =	simm.s32 $0x40  }
0x18: {  	[tilespmem:s12+$0xFFFFFFC0] =	vst v1;
	p0 =	slt.u32 s15, $0xF8  }
0x19: {  	[tilespmem:s12+$0x30] =	vst v1  }
.Ltmp0:
0x1a: {  	[tilespmem:s12+$0x20] =	vst v1;
	(pc) =	sbr.rel @p0 .LBB2_2-.Ltmp0, $4  }
0x1b: {  	[tilespmem:s12+$0x10] =	vst v1  }
0x1c: {  	[tilespmem:s12+$0x0] =	vst v1  }
0x1d: {  	[tilespmem:s12+$0xFFFFFFF0] =	vst v1  }
0x1e: {  	[tilespmem:s12+$0xFFFFFFE0] =	vst v1  }
0x1f: {  	[tilespmem:s12+$0xFFFFFFD0] =	vst v1  }
.LBB2_4:
0x20: {  	v6 =	vld [tilespmem:s14+$0xFFFFFFC0];
	_ =	sdelay $0x4  }
0x21: {  	v6 =	vadd.s32 v0, v6;
	_ =	sdelay $0x4  }
0x22: {  	[tilespmem:v6+s9+$0x0] =	vst.idx.add.f32.msk $0xffff, v2  }
0x23: {  	v6 =	vld [tilespmem:s14+$0xFFFFFFD0];
	_ =	sdelay $0x4  }
0x24: {  	v6 =	vadd.s32 v0, v6;
	_ =	sdelay $0x4  }
0x25: {  	[tilespmem:v6+s9+$0x0] =	vst.idx.add.f32.msk $0xffff, v2  }
0x26: {  	v6 =	vld [tilespmem:s14+$0xFFFFFFE0];
	_ =	sdelay $0x4  }
0x27: {  	v6 =	vadd.s32 v0, v6;
	_ =	sdelay $0x4  }
0x28: {  	[tilespmem:v6+s9+$0x0] =	vst.idx.add.f32.msk $0xffff, v2  }
0x29: {  	v6 =	vld [tilespmem:s14+$0xFFFFFFF0];
	_ =	sdelay $0x4  }
0x2a: {  	v6 =	vadd.s32 v0, v6;
	_ =	sdelay $0x4  }
0x2b: {  	[tilespmem:v6+s9+$0x0] =	vst.idx.add.f32.msk $0xffff, v2  }
0x2c: {  	v6 =	vld [tilespmem:s14+$0x0];
	_ =	sdelay $0x4  }
0x2d: {  	v6 =	vadd.s32 v0, v6;
	_ =	sdelay $0x4  }
0x2e: {  	[tilespmem:v6+s9+$0x0] =	vst.idx.add.f32.msk $0xffff, v2  }
0x2f: {  	v6 =	vld [tilespmem:s14+$0x10];
	_ =	sdelay $0x4  }
0x30: {  	v6 =	vadd.s32 v0, v6;
	_ =	sdelay $0x4  }
0x31: {  	[tilespmem:v6+s9+$0x0] =	vst.idx.add.f32.msk $0xffff, v2  }
0x32: {  	v6 =	vld [tilespmem:s14+$0x20];
	_ =	sdelay $0x4  }
0x33: {  	v6 =	vadd.s32 v0, v6;
	_ =	sdelay $0x4  }
0x34: {  	[tilespmem:v6+s9+$0x0] =	vst.idx.add.f32.msk $0xffff, v2  }
0x35: {  	v6 =	vld [tilespmem:s14+$0x30];
	_ =	sdelay $0x3  }
0x36: {  	s13 =	sadd.s32 $0x8, s13  }
0x37: {  	p0 =	slt.u32 s13, $0x78;
	v6 =	vadd.s32 v0, v6  }
.Ltmp1:
0x38: {  	_ = 	snop;
	(pc) =	sbr.rel @p0 .LBB2_4-.Ltmp1, $2  }
0x39: {  	_ =	sdelay $0x2  }
0x3a: {  	s12 =	simm.s32 $0xFFFFFFF8;
	s15 =	simm.s32 $0xF0;
	s14 =	sadd.s32 $0x200, s14;
	[tilespmem:v6+s9+$0x0] =	vst.idx.add.f32.msk $0xffff, v2  }
0x3b: {  	s14 =	simm.s32 $0xFFFFFFF8  }
.LBB2_6:
0x3c: {  	v6 =	vld [tilespmem:s15+$0xFFFFFF90];
	_ =	sdelay $0x4  }
0x3d: {  	v6 =	vadd.s32 v3, v6;
	_ =	sdelay $0x4  }
0x3e: {  	[tilespmem:v6+s9+$0x0] =	vst.idx.add.f32.msk $0xffff, v2  }
0x3f: {  	v6 =	vld [tilespmem:s15+$0xFFFFFFA0];
	_ =	sdelay $0x4  }
0x40: {  	v6 =	vadd.s32 v3, v6;
	_ =	sdelay $0x4  }
0x41: {  	[tilespmem:v6+s9+$0x0] =	vst.idx.add.f32.msk $0xffff, v2  }
0x42: {  	v6 =	vld [tilespmem:s15+$0xFFFFFFB0];
	_ =	sdelay $0x4  }
0x43: {  	v6 =	vadd.s32 v3, v6;
	_ =	sdelay $0x4  }
0x44: {  	[tilespmem:v6+s9+$0x0] =	vst.idx.add.f32.msk $0xffff, v2  }
0x45: {  	v6 =	vld [tilespmem:s15+$0xFFFFFFC0];
	_ =	sdelay $0x4  }
0x46: {  	v6 =	vadd.s32 v3, v6;
	_ =	sdelay $0x4  }
0x47: {  	[tilespmem:v6+s9+$0x0] =	vst.idx.add.f32.msk $0xffff, v2  }
0x48: {  	v6 =	vld [tilespmem:s15+$0xFFFFFFD0];
	_ =	sdelay $0x4  }
0x49: {  	v6 =	vadd.s32 v3, v6;
	_ =	sdelay $0x4  }
0x4a: {  	[tilespmem:v6+s9+$0x0] =	vst.idx.add.f32.msk $0xffff, v2  }
0x4b: {  	v6 =	vld [tilespmem:s15+$0xFFFFFFE0];
	_ =	sdelay $0x4  }
0x4c: {  	v6 =	vadd.s32 v3, v6;
	_ =	sdelay $0x4  }
0x4d: {  	[tilespmem:v6+s9+$0x0] =	vst.idx.add.f32.msk $0xffff, v2  }
0x4e: {  	v6 =	vld [tilespmem:s15+$0xFFFFFFF0];
	_ =	sdelay $0x4  }
0x4f: {  	v6 =	vadd.s32 v3, v6;
	_ =	sdelay $0x4  }
0x50: {  	[tilespmem:v6+s9+$0x0] =	vst.idx.add.f32.msk $0xffff, v2  }
0x51: {  	v6 =	vld [tilespmem:s15+$0x0];
	_ =	sdelay $0x3  }
0x52: {  	s14 =	sadd.s32 $0x8, s14  }
0x53: {  	p0 =	slt.u32 s14, $0x78;
	v6 =	vadd.s32 v3, v6  }
.Ltmp2:
0x54: {  	_ = 	snop;
	(pc) =	sbr.rel @p0 .LBB2_6-.Ltmp2, $2  }
0x55: {  	_ =	sdelay $0x2  }
0x56: {  	s13 =	simm.s32 $0x170;
	s15 =	sadd.s32 $0x200, s15;
	[tilespmem:v6+s9+$0x0] =	vst.idx.add.f32.msk $0xffff, v2  }
.LBB2_7:
0x57: {  	v6 =	vld [tilespmem:s13+$0xFFFFFF90];
	_ =	sdelay $0x4  }
0x58: {  	v6 =	vadd.s32 v4, v6;
	_ =	sdelay $0x4  }
0x59: {  	[tilespmem:v6+s9+$0x0] =	vst.idx.add.f32.msk $0xffff, v2  }
0x5a: {  	v6 =	vld [tilespmem:s13+$0xFFFFFFA0];
	_ =	sdelay $0x4  }
0x5b: {  	v6 =	vadd.s32 v4, v6;
	_ =	sdelay $0x4  }
0x5c: {  	[tilespmem:v6+s9+$0x0] =	vst.idx.add.f32.msk $0xffff, v2  }
0x5d: {  	v6 =	vld [tilespmem:s13+$0xFFFFFFB0];
	_ =	sdelay $0x4  }
0x5e: {  	v6 =	vadd.s32 v4, v6;
	_ =	sdelay $0x4  }
0x5f: {  	[tilespmem:v6+s9+$0x0] =	vst.idx.add.f32.msk $0xffff, v2  }
0x60: {  	v6 =	vld [tilespmem:s13+$0xFFFFFFC0];
	_ =	sdelay $0x4  }
0x61: {  	v6 =	vadd.s32 v4, v6;
	_ =	sdelay $0x4  }
0x62: {  	[tilespmem:v6+s9+$0x0] =	vst.idx.add.f32.msk $0xffff, v2  }
0x63: {  	v6 =	vld [tilespmem:s13+$0xFFFFFFD0];
	_ =	sdelay $0x4  }
0x64: {  	v6 =	vadd.s32 v4, v6;
	_ =	sdelay $0x4  }
0x65: {  	[tilespmem:v6+s9+$0x0] =	vst.idx.add.f32.msk $0xffff, v2  }
0x66: {  	v6 =	vld [tilespmem:s13+$0xFFFFFFE0];
	_ =	sdelay $0x4  }
0x67: {  	v6 =	vadd.s32 v4, v6;
	_ =	sdelay $0x4  }
0x68: {  	[tilespmem:v6+s9+$0x0] =	vst.idx.add.f32.msk $0xffff, v2  }
0x69: {  	v6 =	vld [tilespmem:s13+$0xFFFFFFF0];
	_ =	sdelay $0x4  }
0x6a: {  	v6 =	vadd.s32 v4, v6;
	_ =	sdelay $0x4  }
0x6b: {  	[tilespmem:v6+s9+$0x0] =	vst.idx.add.f32.msk $0xffff, v2  }
0x6c: {  	v6 =	vld [tilespmem:s13+$0x0];
	_ =	sdelay $0x3  }
0x6d: {  	s12 =	sadd.s32 $0x8, s12  }
0x6e: {  	p0 =	slt.u32 s12, $0x78;
	v6 =	vadd.s32 v4, v6  }
.Ltmp3:
0x6f: {  	_ = 	snop;
	(pc) =	sbr.rel @p0 .LBB2_7-.Ltmp3, $2  }
0x70: {  	_ =	sdelay $0x2  }
0x71: {  	s14 =	simm.s32 $0xFFFFFFF8;
	s15 =	simm.s32 $0x1F0;
	s13 =	sadd.s32 $0x200, s13;
	[tilespmem:v6+s9+$0x0] =	vst.idx.add.f32.msk $0xffff, v2  }
.LBB2_8:
0x72: {  	v6 =	vld [tilespmem:s15+$0xFFFFFF90];
	_ =	sdelay $0x4  }
0x73: {  	v6 =	vadd.s32 v5, v6;
	_ =	sdelay $0x4  }
0x74: {  	[tilespmem:v6+s9+$0x0] =	vst.idx.add.f32.msk $0xffff, v2  }
0x75: {  	v6 =	vld [tilespmem:s15+$0xFFFFFFA0];
	_ =	sdelay $0x4  }
0x76: {  	v6 =	vadd.s32 v5, v6;
	_ =	sdelay $0x4  }
0x77: {  	[tilespmem:v6+s9+$0x0] =	vst.idx.add.f32.msk $0xffff, v2  }
0x78: {  	v6 =	vld [tilespmem:s15+$0xFFFFFFB0];
	_ =	sdelay $0x4  }
0x79: {  	v6 =	vadd.s32 v5, v6;
	_ =	sdelay $0x4  }
0x7a: {  	[tilespmem:v6+s9+$0x0] =	vst.idx.add.f32.msk $0xffff, v2  }
0x7b: {  	v6 =	vld [tilespmem:s15+$0xFFFFFFC0];
	_ =	sdelay $0x4  }
0x7c: {  	v6 =	vadd.s32 v5, v6;
	_ =	sdelay $0x4  }
0x7d: {  	[tilespmem:v6+s9+$0x0] =	vst.idx.add.f32.msk $0xffff, v2  }
0x7e: {  	v6 =	vld [tilespmem:s15+$0xFFFFFFD0];
	_ =	sdelay $0x4  }
0x7f: {  	v6 =	vadd.s32 v5, v6;
	_ =	sdelay $0x4  }
0x80: {  	[tilespmem:v6+s9+$0x0] =	vst.idx.add.f32.msk $0xffff, v2  }
0x81: {  	v6 =	vld [tilespmem:s15+$0xFFFFFFE0];
	_ =	sdelay $0x4  }
0x82: {  	v6 =	vadd.s32 v5, v6;
	_ =	sdelay $0x4  }
0x83: {  	[tilespmem:v6+s9+$0x0] =	vst.idx.add.f32.msk $0xffff, v2  }
0x84: {  	v6 =	vld [tilespmem:s15+$0xFFFFFFF0];
	_ =	sdelay $0x4  }
0x85: {  	v6 =	vadd.s32 v5, v6;
	_ =	sdelay $0x4  }
0x86: {  	[tilespmem:v6+s9+$0x0] =	vst.idx.add.f32.msk $0xffff, v2  }
0x87: {  	v6 =	vld [tilespmem:s15+$0x0];
	_ =	sdelay $0x3  }
0x88: {  	s14 =	sadd.s32 $0x8, s14  }
0x89: {  	p0 =	slt.u32 s14, $0x78;
	v6 =	vadd.s32 v5, v6  }
.Ltmp4:
0x8a: {  	_ = 	snop;
	(pc) =	sbr.rel @p0 .LBB2_8-.Ltmp4, $2  }
0x8b: {  	_ =	sdelay $0x2  }
0x8c: {  	s15 =	sadd.s32 $0x200, s15;
	[tilespmem:v6+s9+$0x0] =	vst.idx.add.f32.msk $0xffff, v2  }
0x8d: {  	v6 =	vld [tilespmem:$0x2180];
	_ =	sdelay $0x4  }
0x8e: {  	[tilespmem:$0x1FA30] =	vst v6;
	v6 =	vld [tilespmem:$0x21C0];
	_ =	sdelay $0x4  }
0x8f: {  	[tilespmem:$0x1FA40] =	vst v6;
	v6 =	vld [tilespmem:$0x2200];
	_ =	sdelay $0x4  }
0x90: {  	[tilespmem:$0x1FA50] =	vst v6;
	v6 =	vld [tilespmem:$0x2240];
	_ =	sdelay $0x4  }
0x91: {  	[tilespmem:$0x1FA60] =	vst v6;
	v6 =	vld [tilespmem:$0x2280];
	_ =	sdelay $0x4  }
0x92: {  	[tilespmem:$0x1FA80] =	vst v6;
	v6 =	vld [tilespmem:$0x22C0];
	_ =	sdelay $0x4  }
0x93: {  	[tilespmem:$0x1FAA0] =	vst v6;
	v6 =	vld [tilespmem:$0x2300];
	_ =	sdelay $0x4  }
0x94: {  	[tilespmem:$0x1FAC0] =	vst v6;
	v6 =	vld [tilespmem:$0x2340];
	_ =	sdelay $0x4  }
0x95: {  	[tilespmem:$0x1FAE0] =	vst v6;
	v6 =	vld [tilespmem:$0x2380];
	_ =	sdelay $0x4  }
0x96: {  	[tilespmem:$0x1FB10] =	vst v6;
	v6 =	vld [tilespmem:$0x23C0];
	_ =	sdelay $0x4  }
0x97: {  	[tilespmem:$0x1FB40] =	vst v6;
	v6 =	vld [tilespmem:$0x2250];
	_ =	sdelay $0x4  }
0x98: {  	[tilespmem:$0x1FA70] =	vst v6;
	v6 =	vld [tilespmem:$0x2290];
	_ =	sdelay $0x4  }
0x99: {  	[tilespmem:$0x1FA90] =	vst v6;
	v6 =	vld [tilespmem:$0x22D0];
	_ =	sdelay $0x4  }
0x9a: {  	[tilespmem:$0x1FAB0] =	vst v6;
	v6 =	vld [tilespmem:$0x2310];
	_ =	sdelay $0x4  }
0x9b: {  	[tilespmem:$0x1FAD0] =	vst v6;
	v6 =	vld [tilespmem:$0x2350];
	_ =	sdelay $0x4  }
0x9c: {  	[tilespmem:$0x1FB00] =	vst v6;
	v6 =	vld [tilespmem:$0x2390];
	_ =	sdelay $0x4  }
0x9d: {  	[tilespmem:$0x1FB30] =	vst v6;
	v6 =	vld [tilespmem:$0x23D0];
	_ =	sdelay $0x4  }
0x9e: {  	[tilespmem:$0x1FB60] =	vst v6;
	v6 =	vld [tilespmem:$0x2320];
	_ =	sdelay $0x3  }
0x9f: {  	v27 =	vld [tilespmem:$0x2000]  }
0xa0: {  	[tilespmem:$0x1FAF0] =	vst v6;
	v6 =	vld [tilespmem:$0x2360]  }
0xa1: {  	v30 =	vld [tilespmem:$0x2040]  }
0xa2: {  	v36 =	vld [tilespmem:$0x2080]  }
0xa3: {  	v41 =	vld [tilespmem:$0x20C0]  }
0xa4: {  	v48 =	vld [tilespmem:$0x2100]  }
0xa5: {  	[tilespmem:$0x1FB20] =	vst v6;
	v6 =	vld [tilespmem:$0x23A0]  }
0xa6: {  	v56 =	vld [tilespmem:$0x2140]  }
0xa7: {  	v15 =	vld [tilespmem:$0x2010]  }
0xa8: {  	v17 =	vld [tilespmem:$0x2050]  }
0xa9: {  	v22 =	vld [tilespmem:$0x2090]  }
0xaa: {  	[tilespmem:$0x1FB50] =	vst v6;
	v6 =	vld [tilespmem:$0x23E0]  }
0xab: {  	v25 =	vld [tilespmem:$0x20D0]  }
0xac: {  	v33 =	vld [tilespmem:$0x2110]  }
0xad: {  	v39 =	vld [tilespmem:$0x2150]  }
0xae: {  	v9 =	vld [tilespmem:$0x2020]  }
0xaf: {  	[tilespmem:$0x1FB80] =	vst v6;
	v6 =	vld [tilespmem:$0x2030]  }
0xb0: {  	v11 =	vld [tilespmem:$0x2060]  }
0xb1: {  	v7 =	vld [tilespmem:$0x2070];
	v27 =	vadd.f32 $0.0e+00, v27  }
0xb2: {  	v13 =	vld [tilespmem:$0x20A0];
	v15 =	vadd.f32 $0.0e+00, v15  }
0xb3: {  	v8 =	vld [tilespmem:$0x20B0];
	v27 =	vadd.f32 v30, v27  }
0xb4: {  	v16 =	vld [tilespmem:$0x20E0];
	v15 =	vadd.f32 v17, v15;
	v6 =	vadd.f32 $0.0e+00, v6  }
0xb5: {  	v10 =	vld [tilespmem:$0x20F0];
	v9 =	vadd.f32 $0.0e+00, v9;
	v27 =	vadd.f32 v36, v27  }
0xb6: {  	v36 =	vadd.f32 v22, v15;
	v6 =	vadd.f32 v7, v6;
	v7 =	vld [tilespmem:$0x2A00]  }
0xb7: {  	v12 =	vld [tilespmem:$0x2130];
	v9 =	vadd.f32 v11, v9  }
0xb8: {  	v44 =	vld [tilespmem:$0x2190];
	v11 =	vadd.f32 v25, v36;
	v6 =	vadd.f32 v8, v6  }
0xb9: {  	v14 =	vld [tilespmem:$0x2170];
	v9 =	vadd.f32 v13, v9  }
0xba: {  	v51 =	vld [tilespmem:$0x21D0];
	v25 =	vadd.f32 v33, v11;
	v6 =	vadd.f32 v10, v6  }
0xbb: {  	v18 =	vld [tilespmem:$0x21B0];
	v17 =	vadd.f32 v16, v9;
	[tilespmem:$0x1FF20] =	vst v7;
	v7 =	vadd.f32 v41, v27  }
0xbc: {  	v36 =	vld [tilespmem:$0x1FA30];
	v9 =	vadd.f32 v39, v25;
	v6 =	vadd.f32 v12, v6  }
0xbd: {  	v21 =	vld [tilespmem:$0x21F0];
	v7 =	vadd.f32 v48, v7  }
0xbe: {  	v41 =	vadd.f32 v44, v9;
	v44 =	vld [tilespmem:$0x1FA40];
	v6 =	vadd.f32 v14, v6  }
0xbf: {  	v7 =	vadd.f32 v56, v7  }
0xc0: {  	v48 =	vld [tilespmem:$0x1FA50];
	v6 =	vadd.f32 v18, v6  }
0xc1: {  	v7 =	vadd.f32 v36, v7  }
0xc2: {  	v11 =	vadd.f32 v51, v41;
	v51 =	vadd.f32 v21, v6;
	v6 =	vld [tilespmem:$0x1FA60]  }
0xc3: {  	v7 =	vadd.f32 v44, v7;
	_ =	sdelay $0x1  }
0xc4: {  	v58 =	vld [tilespmem:$0x2210];
	v7 =	vadd.f32 v48, v7;
	_ =	sdelay $0x1  }
0xc5: {  	v7 =	vadd.f32 v6, v7;
	v6 =	vld [tilespmem:$0x1FA70];
	_ =	sdelay $0x2  }
0xc6: {  	v11 =	vadd.f32 v58, v11;
	_ =	sdelay $0x1  }
0xc7: {  	v11 =	vadd.f32 v6, v11;
	v6 =	vld [tilespmem:$0x1FA80];
	_ =	sdelay $0x4  }
0xc8: {  	v7 =	vadd.f32 v6, v7;
	v6 =	vld [tilespmem:$0x1FA90];
	_ =	sdelay $0x4  }
0xc9: {  	v11 =	vadd.f32 v6, v11;
	v6 =	vld [tilespmem:$0x1FAA0];
	_ =	sdelay $0x4  }
0xca: {  	v7 =	vadd.f32 v6, v7;
	v6 =	vld [tilespmem:$0x1FAB0];
	_ =	sdelay $0x3  }
0xcb: {  	v20 =	vld [tilespmem:$0x2120]  }
0xcc: {  	v11 =	vadd.f32 v6, v11;
	v6 =	vld [tilespmem:$0x1FAC0]  }
0xcd: {  	v24 =	vld [tilespmem:$0x2160];
	_ =	sdelay $0x1  }
0xce: {  	v29 =	vld [tilespmem:$0x21A0]  }
0xcf: {  	v35 =	vld [tilespmem:$0x21E0];
	v8 =	vadd.f32 v20, v17  }
0xd0: {  	v7 =	vadd.f32 v6, v7;
	v6 =	vld [tilespmem:$0x1FAD0]  }
0xd1: {  	v8 =	vadd.f32 v24, v8  }
0xd2: {  	v42 =	vld [tilespmem:$0x2220]  }
0xd3: {  	v8 =	vadd.f32 v29, v8  }
0xd4: {  	v47 =	vld [tilespmem:$0x2260]  }
0xd5: {  	v8 =	vadd.f32 v35, v8;
	v11 =	vadd.f32 v6, v11;
	v6 =	vld [tilespmem:$0x1FAE0]  }
0xd6: {  	v55 =	vld [tilespmem:$0x22A0]  }
0xd7: {  	v8 =	vadd.f32 v42, v8  }
0xd8: {  	v63 =	vld [tilespmem:$0x22E0]  }
0xd9: {  	v8 =	vadd.f32 v47, v8  }
0xda: {  	v7 =	vadd.f32 v6, v7;
	v6 =	vld [tilespmem:$0x1FAF0]  }
0xdb: {  	v8 =	vadd.f32 v55, v8;
	_ =	sdelay $0x1  }
0xdc: {  	v8 =	vadd.f32 v63, v8;
	_ =	sdelay $0x1  }
0xdd: {  	v8 =	vadd.f32 v6, v8;
	v6 =	vld [tilespmem:$0x2B50];
	_ =	sdelay $0x4  }
0xde: {  	[tilespmem:$0x1FF80] =	vst v6;
	v6 =	vld [tilespmem:$0x1FB00]  }
0xdf: {  	v62 =	vld [tilespmem:$0x2600];
	_ =	sdelay $0x3  }
0xe0: {  	v11 =	vadd.f32 v6, v11;
	v6 =	vld [tilespmem:$0x2B90]  }
0xe1: {  	[tilespmem:$0x1FC90] =	vst v62;
	v62 =	vld [tilespmem:$0x2610];
	_ =	sdelay $0x3  }
0xe2: {  	[tilespmem:$0x1FFA0] =	vst v6;
	v6 =	vld [tilespmem:$0x1FB10]  }
0xe3: {  	[tilespmem:$0x1FCB0] =	vst v62;
	v62 =	vld [tilespmem:$0x2620];
	_ =	sdelay $0x3  }
0xe4: {  	v7 =	vadd.f32 v6, v7;
	v6 =	vld [tilespmem:$0x1FB20]  }
0xe5: {  	[tilespmem:$0x1FCD0] =	vst v62;
	v62 =	vld [tilespmem:$0x2630];
	_ =	sdelay $0x3  }
0xe6: {  	v8 =	vadd.f32 v6, v8;
	v6 =	vld [tilespmem:$0x1FB30]  }
0xe7: {  	[tilespmem:$0x1FCF0] =	vst v62;
	v62 =	vld [tilespmem:$0x2670];
	_ =	sdelay $0x3  }
0xe8: {  	v11 =	vadd.f32 v6, v11;
	v6 =	vld [tilespmem:$0x1FB40]  }
0xe9: {  	[tilespmem:$0x1FD30] =	vst v62;
	v62 =	vld [tilespmem:$0x26B0];
	_ =	sdelay $0x3  }
0xea: {  	v26 =	vld [tilespmem:$0x2230];
	v6 =	vadd.f32 v6, v7  }
0xeb: {  	[tilespmem:$0x1FD70] =	vst v62;
	v62 =	vld [tilespmem:$0x26F0]  }
0xec: {  	[tilespmem:$0x1FFC0] =	vst v6;
	v6 =	vld [tilespmem:$0x1FB50]  }
0xed: {  	v31 =	vld [tilespmem:$0x2270]  }
0xee: {  	v37 =	vld [tilespmem:$0x22B0]  }
0xef: {  	v43 =	vld [tilespmem:$0x22F0]  }
0xf0: {  	[tilespmem:$0x1FDB0] =	vst v62;
	v62 =	vld [tilespmem:$0x2730]  }
0xf1: {  	v14 =	vadd.f32 v26, v51;
	v7 =	vadd.f32 v6, v8;
	v6 =	vld [tilespmem:$0x1FB60]  }
0xf2: {  	v19 =	vld [tilespmem:$0x23B0]  }
0xf3: {  	v14 =	vadd.f32 v31, v14  }
0xf4: {  	v50 =	vld [tilespmem:$0x2330]  }
0xf5: {  	v59 =	vld [tilespmem:$0x2370];
	v14 =	vadd.f32 v37, v14  }
0xf6: {  	[tilespmem:$0x1FDF0] =	vst v62;
	v62 =	vld [tilespmem:$0x2770];
	v6 =	vadd.f32 v6, v11  }
0xf7: {  	[tilespmem:$0x1FB70] =	vst v19;
	v14 =	vadd.f32 v43, v14  }
0xf8: {  	[tilespmem:$0x1FFD0] =	vst v6;
	v6 =	vld [tilespmem:$0x1FB70]  }
0xf9: {  	v14 =	vadd.f32 v50, v14;
	_ =	sdelay $0x1  }
0xfa: {  	[tilespmem:$0x1FE30] =	vst v62;
	v62 =	vld [tilespmem:$0x27B0];
	v14 =	vadd.f32 v59, v14;
	_ =	sdelay $0x1  }
0xfb: {  	v55 =	vadd.f32 v6, v14;
	v6 =	vld [tilespmem:$0x1FB80]  }
0xfc: {  	v46 =	vld [tilespmem:$0x2400];
	_ =	sdelay $0x1  }
0xfd: {  	[tilespmem:$0x1FE70] =	vst v62;
	v62 =	vld [tilespmem:$0x27F0];
	_ =	sdelay $0x1  }
0xfe: {  	v6 =	vadd.f32 v6, v7  }
0xff: {  	v45 =	vld [tilespmem:$0x23F0];
	[tilespmem:$0x1FB90] =	vst v46  }
0x100: {  	[tilespmem:$0x1FFE0] =	vst v6;
	v6 =	vld [tilespmem:$0x1FB90]  }
0x101: {  	[tilespmem:$0x1FEA0] =	vst v62;
	v62 =	vld [tilespmem:$0x2800];
	_ =	sdelay $0x2  }
0x102: {  	v49 =	vld [tilespmem:$0x2440];
	[tilespmem:$0x1FBA0] =	vst v45  }
0x103: {  	v7 =	vadd.f32 $0.0e+00, v6;
	v6 =	vld [tilespmem:$0x1FBA0]  }
0x104: {  	[tilespmem:$0x1FE90] =	vst v62;
	v62 =	vld [tilespmem:$0x2840];
	_ =	sdelay $0x3  }
0x105: {  	v52 =	vld [tilespmem:$0x2480];
	[tilespmem:$0x1FBB0] =	vst v49;
	v6 =	vadd.f32 v6, v55  }
0x106: {  	[tilespmem:$0x1FEB0] =	vst v62;
	v62 =	vld [tilespmem:$0x2880]  }
0x107: {  	[tilespmem:$0x1FFF0] =	vst v6;
	v6 =	vld [tilespmem:$0x1FBB0];
	_ =	sdelay $0x1  }
0x108: {  	v53 =	vld [tilespmem:$0x24C0]  }
0x109: {  	v54 =	vld [tilespmem:$0x2500];
	[tilespmem:$0x1FBC0] =	vst v52  }
0x10a: {  	[tilespmem:$0x1FEC0] =	vst v62;
	v62 =	vld [tilespmem:$0x28C0]  }
0x10b: {  	v7 =	vadd.f32 v6, v7;
	v6 =	vld [tilespmem:$0x1FBC0]  }
0x10c: {  	v60 =	vld [tilespmem:$0x2580]  }
0x10d: {  	v49 =	vld [tilespmem:$0x2410]  }
0x10e: {  	[tilespmem:$0x1FBD0] =	vst v53;
	v46 =	vld [tilespmem:$0x24D0]  }
0x10f: {  	[tilespmem:$0x1FED0] =	vst v62;
	v62 =	vld [tilespmem:$0x2900]  }
0x110: {  	v7 =	vadd.f32 v6, v7;
	v6 =	vld [tilespmem:$0x1FBD0]  }
0x111: {  	[tilespmem:$0x1FBF0] =	vst v54;
	v54 =	vld [tilespmem:$0x2450]  }
0x112: {  	[tilespmem:$0x1FC30] =	vst v60  }
0x113: {  	v60 =	vld [tilespmem:$0x2490];
	[tilespmem:$0x1FBE0] =	vst v46  }
0x114: {  	[tilespmem:$0x1FEE0] =	vst v62;
	v62 =	vld [tilespmem:$0x2940];
	v56 =	vadd.f32 $0.0e+00, v49  }
0x115: {  	v7 =	vadd.f32 v6, v7;
	v6 =	vld [tilespmem:$0x1FBE0]  }
0x116: {  	v8 =	vadd.f32 v54, v56;
	_ =	sdelay $0x1  }
0x117: {  	v52 =	vld [tilespmem:$0x2510];
	v8 =	vadd.f32 v60, v8  }
0x118: {  	[tilespmem:$0x1FEF0] =	vst v62;
	v62 =	vld [tilespmem:$0x2980]  }
0x119: {  	v8 =	vadd.f32 v6, v8;
	v6 =	vld [tilespmem:$0x1FBF0];
	_ =	sdelay $0x1  }
0x11a: {  	v57 =	vld [tilespmem:$0x2540]  }
0x11b: {  	v32 =	vld [tilespmem:$0x26C0];
	[tilespmem:$0x1FC00] =	vst v52  }
0x11c: {  	[tilespmem:$0x1FF00] =	vst v62;
	v62 =	vld [tilespmem:$0x2A40]  }
0x11d: {  	v7 =	vadd.f32 v6, v7;
	v6 =	vld [tilespmem:$0x1FC00]  }
0x11e: {  	v38 =	vld [tilespmem:$0x2740]  }
0x11f: {  	v45 =	vld [tilespmem:$0x27C0]  }
0x120: {  	[tilespmem:$0x1FC10] =	vst v57;
	v53 =	vld [tilespmem:$0x2550]  }
0x121: {  	[tilespmem:$0x1FD40] =	vst v32;
	v32 =	vld [tilespmem:$0x26D0]  }
0x122: {  	[tilespmem:$0x1FF30] =	vst v62;
	v62 =	vadd.f32 v6, v8;
	v6 =	vld [tilespmem:$0x1FC10]  }
0x123: {  	[tilespmem:$0x1FDC0] =	vst v38  }
0x124: {  	v38 =	vld [tilespmem:$0x2750];
	[tilespmem:$0x1FE40] =	vst v45  }
0x125: {  	[tilespmem:$0x1FC20] =	vst v53;
	v45 =	vld [tilespmem:$0x27D0]  }
0x126: {  	[tilespmem:$0x1FD60] =	vst v32;
	v32 =	vld [tilespmem:$0x2420]  }
0x127: {  	v7 =	vadd.f32 v6, v7;
	v6 =	vld [tilespmem:$0x1FC20]  }
0x128: {  	v57 =	vld [tilespmem:$0x2590]  }
0x129: {  	[tilespmem:$0x1FDE0] =	vst v38;
	v38 =	vld [tilespmem:$0x2460]  }
0x12a: {  	v46 =	vld [tilespmem:$0x2560]  }
0x12b: {  	[tilespmem:$0x1FE60] =	vst v45;
	v45 =	vld [tilespmem:$0x24A0]  }
0x12c: {  	v58 =	vadd.f32 $0.0e+00, v32;
	v17 =	vadd.f32 v6, v62;
	v6 =	vld [tilespmem:$0x1FC30]  }
0x12d: {  	v52 =	vld [tilespmem:$0x24E0]  }
0x12e: {  	v11 =	vadd.f32 v38, v58  }
0x12f: {  	[tilespmem:$0x1FC50] =	vst v57;
	v57 =	vld [tilespmem:$0x2520]  }
0x130: {  	[tilespmem:$0x1FC40] =	vst v46;
	v11 =	vadd.f32 v45, v11  }
0x131: {  	v7 =	vadd.f32 v6, v7;
	v6 =	vld [tilespmem:$0x1FC40]  }
0x132: {  	v11 =	vadd.f32 v52, v11;
	_ =	sdelay $0x1  }
0x133: {  	v11 =	vadd.f32 v57, v11  }
0x134: {  	v61 =	vld [tilespmem:$0x25C0]  }
0x135: {  	v11 =	vadd.f32 v6, v11;
	v6 =	vld [tilespmem:$0x1FC50];
	_ =	sdelay $0x3  }
0x136: {  	[tilespmem:$0x1FC60] =	vst v61;
	v53 =	vld [tilespmem:$0x25A0]  }
0x137: {  	v17 =	vadd.f32 v6, v17;
	v6 =	vld [tilespmem:$0x1FC60];
	_ =	sdelay $0x3  }
0x138: {  	v61 =	vld [tilespmem:$0x25D0];
	[tilespmem:$0x1FC70] =	vst v53  }
0x139: {  	v7 =	vadd.f32 v6, v7;
	v6 =	vld [tilespmem:$0x1FC70];
	_ =	sdelay $0x3  }
0x13a: {  	[tilespmem:$0x1FC80] =	vst v61  }
0x13b: {  	v11 =	vadd.f32 v6, v11;
	v6 =	vld [tilespmem:$0x1FC80];
	_ =	sdelay $0x2  }
0x13c: {  	v23 =	vld [tilespmem:$0x2640]  }
0x13d: {  	v61 =	vld [tilespmem:$0x25E0]  }
0x13e: {  	v17 =	vadd.f32 v6, v17;
	v6 =	vld [tilespmem:$0x1FC90]  }
0x13f: {  	v28 =	vld [tilespmem:$0x2680]  }
0x140: {  	v34 =	vld [tilespmem:$0x2700]  }
0x141: {  	v40 =	vld [tilespmem:$0x2780];
	[tilespmem:$0x1FCC0] =	vst v23  }
0x142: {  	v23 =	vld [tilespmem:$0x2650];
	[tilespmem:$0x1FCA0] =	vst v61  }
0x143: {  	v7 =	vadd.f32 v6, v7;
	v6 =	vld [tilespmem:$0x1FCA0]  }
0x144: {  	[tilespmem:$0x1FD00] =	vst v28;
	v28 =	vld [tilespmem:$0x2690]  }
0x145: {  	[tilespmem:$0x1FD80] =	vst v34;
	v34 =	vld [tilespmem:$0x2710]  }
0x146: {  	[tilespmem:$0x1FE00] =	vst v40;
	v40 =	vld [tilespmem:$0x2790]  }
0x147: {  	v19 =	vld [tilespmem:$0x2430]  }
0x148: {  	v11 =	vadd.f32 v6, v11;
	v6 =	vld [tilespmem:$0x1FCB0]  }
0x149: {  	[tilespmem:$0x1FCE0] =	vst v23;
	v23 =	vld [tilespmem:$0x2660]  }
0x14a: {  	[tilespmem:$0x1FD20] =	vst v28;
	v28 =	vld [tilespmem:$0x26A0]  }
0x14b: {  	[tilespmem:$0x1FDA0] =	vst v34;
	v34 =	vld [tilespmem:$0x26E0]  }
0x14c: {  	[tilespmem:$0x1FE20] =	vst v40;
	v40 =	vld [tilespmem:$0x2720]  }
0x14d: {  	v17 =	vadd.f32 v6, v17;
	v6 =	vld [tilespmem:$0x1FCC0]  }
0x14e: {  	[tilespmem:$0x1FD10] =	vst v23;
	v23 =	vld [tilespmem:$0x2470]  }
0x14f: {  	v46 =	vld [tilespmem:$0x2760]  }
0x150: {  	[tilespmem:$0x1FD50] =	vst v28;
	v28 =	vld [tilespmem:$0x24B0]  }
0x151: {  	[tilespmem:$0x1FD90] =	vst v34;
	v34 =	vld [tilespmem:$0x24F0];
	v59 =	vadd.f32 $0.0e+00, v19  }
0x152: {  	v7 =	vadd.f32 v6, v7;
	v6 =	vld [tilespmem:$0x1FCD0]  }
0x153: {  	v53 =	vld [tilespmem:$0x27A0];
	v14 =	vadd.f32 v23, v59  }
0x154: {  	[tilespmem:$0x1FDD0] =	vst v40;
	v40 =	vld [tilespmem:$0x2530]  }
0x155: {  	v61 =	vld [tilespmem:$0x27E0];
	v14 =	vadd.f32 v28, v14  }
0x156: {  	[tilespmem:$0x1FE10] =	vst v46;
	v46 =	vld [tilespmem:$0x2570]  }
0x157: {  	v14 =	vadd.f32 v34, v14;
	v11 =	vadd.f32 v6, v11;
	v6 =	vld [tilespmem:$0x1FCE0]  }
0x158: {  	[tilespmem:$0x1FE50] =	vst v53;
	v53 =	vld [tilespmem:$0x25B0]  }
0x159: {  	v63 =	vadd.f32 v40, v14  }
0x15a: {  	[tilespmem:$0x1FE80] =	vst v61;
	v61 =	vld [tilespmem:$0x25F0]  }
0x15b: {  	v23 =	vadd.f32 v46, v63  }
0x15c: {  	v17 =	vadd.f32 v6, v17;
	v6 =	vld [tilespmem:$0x1FCF0]  }
0x15d: {  	v23 =	vadd.f32 v53, v23;
	_ =	sdelay $0x1  }
0x15e: {  	v23 =	vadd.f32 v61, v23;
	_ =	sdelay $0x1  }
0x15f: {  	v23 =	vadd.f32 v6, v23;
	v6 =	vld [tilespmem:$0x1FD00];
	_ =	sdelay $0x4  }
0x160: {  	v7 =	vadd.f32 v6, v7;
	v6 =	vld [tilespmem:$0x1FD10];
	_ =	sdelay $0x4  }
0x161: {  	v11 =	vadd.f32 v6, v11;
	v6 =	vld [tilespmem:$0x1FD20];
	_ =	sdelay $0x4  }
0x162: {  	v17 =	vadd.f32 v6, v17;
	v6 =	vld [tilespmem:$0x1FD30];
	_ =	sdelay $0x4  }
0x163: {  	v23 =	vadd.f32 v6, v23;
	v6 =	vld [tilespmem:$0x1FD40];
	_ =	sdelay $0x4  }
0x164: {  	v7 =	vadd.f32 v6, v7;
	v6 =	vld [tilespmem:$0x1FD50];
	_ =	sdelay $0x4  }
0x165: {  	v11 =	vadd.f32 v6, v11;
	v6 =	vld [tilespmem:$0x1FD60];
	_ =	sdelay $0x4  }
0x166: {  	v17 =	vadd.f32 v6, v17;
	v6 =	vld [tilespmem:$0x1FD70];
	_ =	sdelay $0x4  }
0x167: {  	v23 =	vadd.f32 v6, v23;
	v6 =	vld [tilespmem:$0x1FD80];
	_ =	sdelay $0x4  }
0x168: {  	v7 =	vadd.f32 v6, v7;
	v6 =	vld [tilespmem:$0x1FD90];
	_ =	sdelay $0x4  }
0x169: {  	v11 =	vadd.f32 v6, v11;
	v6 =	vld [tilespmem:$0x1FDA0];
	_ =	sdelay $0x4  }
0x16a: {  	v17 =	vadd.f32 v6, v17;
	v6 =	vld [tilespmem:$0x1FDB0];
	_ =	sdelay $0x4  }
0x16b: {  	v23 =	vadd.f32 v6, v23;
	v6 =	vld [tilespmem:$0x1FDC0];
	_ =	sdelay $0x1  }
0x16c: {  	v30 =	vld [tilespmem:$0x29C0]  }
0x16d: {  	v15 =	vld [tilespmem:$0x2A80]  }
0x16e: {  	v22 =	vld [tilespmem:$0x2AC0]  }
0x16f: {  	v7 =	vadd.f32 v6, v7;
	v6 =	vld [tilespmem:$0x1FDD0]  }
0x170: {  	v13 =	vld [tilespmem:$0x2890]  }
0x171: {  	v16 =	vld [tilespmem:$0x2910]  }
0x172: {  	[tilespmem:$0x1FF10] =	vst v30;
	v30 =	vld [tilespmem:$0x2B40]  }
0x173: {  	v33 =	vld [tilespmem:$0x2B80]  }
0x174: {  	v11 =	vadd.f32 v6, v11;
	v6 =	vld [tilespmem:$0x1FDE0]  }
0x175: {  	[tilespmem:$0x1FF50] =	vst v22;
	v22 =	vld [tilespmem:$0x2AA0]  }
0x176: {  	[tilespmem:$0x1FF40] =	vst v15;
	v15 =	vld [tilespmem:$0x2AE0]  }
0x177: {  	v39 =	vld [tilespmem:$0x2BC0]  }
0x178: {  	v25 =	vld [tilespmem:$0x2AD0]  }
0x179: {  	v17 =	vadd.f32 v6, v17;
	v6 =	vld [tilespmem:$0x1FDF0]  }
0x17a: {  	[tilespmem:$0x1FF70] =	vst v30;
	v30 =	vld [tilespmem:$0x2BD0]  }
0x17b: {  	[tilespmem:$0x1FF90] =	vst v33;
	v33 =	vld [tilespmem:$0x2B10]  }
0x17c: {  	[tilespmem:$0x1FFB0] =	vst v39;
	v39 =	vld [tilespmem:$0x2990]  }
0x17d: {  	v20 =	vld [tilespmem:$0x2860]  }
0x17e: {  	v23 =	vadd.f32 v6, v23;
	v6 =	vld [tilespmem:$0x1FE00]  }
0x17f: {  	v10 =	vld [tilespmem:$0x2810]  }
0x180: {  	v24 =	vld [tilespmem:$0x2BA0]  }
0x181: {  	v27 =	vld [tilespmem:$0x2B00]  }
0x182: {  	v9 =	vld [tilespmem:$0x2850]  }
0x183: {  	v7 =	vadd.f32 v6, v7;
	v6 =	vld [tilespmem:$0x1FE10]  }
0x184: {  	v12 =	vld [tilespmem:$0x28D0]  }
0x185: {  	v29 =	vld [tilespmem:$0x29E0]  }
0x186: {  	v41 =	vld [tilespmem:$0x2950]  }
0x187: {  	v35 =	vld [tilespmem:$0x29D0]  }
0x188: {  	v11 =	vadd.f32 v6, v11;
	v6 =	vld [tilespmem:$0x1FE20]  }
0x189: {  	v32 =	vld [tilespmem:$0x2A60]  }
0x18a: {  	v49 =	vld [tilespmem:$0x29F0]  }
0x18b: {  	[tilespmem:$0x1FF60] =	vst v27;
	v27 =	vld [tilespmem:$0x2A50]  }
0x18c: {  	v18 =	vld [tilespmem:$0x2820]  }
0x18d: {  	v17 =	vadd.f32 v6, v17;
	v6 =	vld [tilespmem:$0x1FE30]  }
0x18e: {  	v42 =	vld [tilespmem:$0x28E0]  }
0x18f: {  	v36 =	vld [tilespmem:$0x2A10]  }
0x190: {  	v10 =	vadd.f32 $0.0e+00, v10;
	v47 =	vld [tilespmem:$0x29A0]  }
0x191: {  	v44 =	vld [tilespmem:$0x2960]  }
0x192: {  	v9 =	vadd.f32 v9, v10;
	v23 =	vadd.f32 v6, v23;
	v6 =	vld [tilespmem:$0x1FE40]  }
0x193: {  	v26 =	vld [tilespmem:$0x2A90]  }
0x194: {  	v9 =	vadd.f32 v13, v9;
	v51 =	vld [tilespmem:$0x2A70]  }
0x195: {  	v48 =	vld [tilespmem:$0x29B0]  }
0x196: {  	v9 =	vadd.f32 v12, v9;
	v12 =	vld [tilespmem:$0x2EC0]  }
0x197: {  	v18 =	vadd.f32 $0.0e+00, v18;
	v21 =	vadd.f32 v6, v7;
	v6 =	vld [tilespmem:$0x1FE50]  }
0x198: {  	v31 =	vld [tilespmem:$0x2A20]  }
0x199: {  	v18 =	vadd.f32 v20, v18;
	v20 =	vld [tilespmem:$0x1FED0]  }
0x19a: {  	v9 =	vadd.f32 v16, v9;
	v16 =	vld [tilespmem:$0x2F80]  }
0x19b: {  	v37 =	vld [tilespmem:$0x28A0]  }
0x19c: {  	v59 =	vadd.f32 v6, v11;
	v6 =	vld [tilespmem:$0x1FE60]  }
0x19d: {  	v43 =	vld [tilespmem:$0x2920]  }
0x19e: {  	v50 =	vld [tilespmem:$0x2A30]  }
0x19f: {  	v19 =	vld [tilespmem:$0x2B60]  }
0x1a0: {  	v54 =	vld [tilespmem:$0x2B30]  }
0x1a1: {  	v11 =	vadd.f32 v6, v17;
	v6 =	vld [tilespmem:$0x1FE70]  }
0x1a2: {  	v56 =	vld [tilespmem:$0x2BB0]  }
0x1a3: {  	v60 =	vld [tilespmem:$0x2C40]  }
0x1a4: {  	v38 =	vld [tilespmem:$0x28B0]  }
0x1a5: {  	v58 =	vld [tilespmem:$0x2C00]  }
0x1a6: {  	v23 =	vadd.f32 v6, v23;
	v6 =	vld [tilespmem:$0x1FE80]  }
0x1a7: {  	v45 =	vld [tilespmem:$0x2930]  }
0x1a8: {  	v52 =	vld [tilespmem:$0x2AB0]  }
0x1a9: {  	v57 =	vld [tilespmem:$0x2BF0]  }
0x1aa: {  	v28 =	vld [tilespmem:$0x2830]  }
0x1ab: {  	v17 =	vadd.f32 v6, v59;
	v6 =	vld [tilespmem:$0x1FE90]  }
0x1ac: {  	v34 =	vld [tilespmem:$0x2870]  }
0x1ad: {  	v14 =	vld [tilespmem:$0x2BE0]  }
0x1ae: {  	v40 =	vld [tilespmem:$0x28F0]  }
0x1af: {  	v10 =	vadd.f32 $0.0e+00, v28;
	v28 =	vld [tilespmem:$0x2D80]  }
0x1b0: {  	v59 =	vadd.f32 $0.0e+00, v6;
	v6 =	vld [tilespmem:$0x1FEA0]  }
0x1b1: {  	v46 =	vld [tilespmem:$0x2970]  }
0x1b2: {  	v63 =	vld [tilespmem:$0x2D00]  }
0x1b3: {  	v13 =	vadd.f32 v34, v10;
	v34 =	vld [tilespmem:$0x2E00]  }
0x1b4: {  	v10 =	vld [tilespmem:$0x2E40]  }
0x1b5: {  	v23 =	vadd.f32 v6, v23;
	v6 =	vld [tilespmem:$0x1FEB0]  }
0x1b6: {  	v53 =	vld [tilespmem:$0x2AF0]  }
0x1b7: {  	v7 =	vld [tilespmem:$0x1FEC0]  }
0x1b8: {  	v13 =	vadd.f32 v38, v13;
	v38 =	vld [tilespmem:$0x1FEE0]  }
0x1b9: {  	v61 =	vld [tilespmem:$0x2C80]  }
0x1ba: {  	v55 =	vld [tilespmem:$0x2B70];
	v59 =	vadd.f32 v6, v59  }
0x1bb: {  	v8 =	vld [tilespmem:$0x2B20]  }
0x1bc: {  	v62 =	vld [tilespmem:$0x2CC0];
	v59 =	vadd.f32 v7, v59  }
0x1bd: {  	v6 =	vld [tilespmem:$0x2D40]  }
0x1be: {  	v18 =	vadd.f32 v37, v18;
	v7 =	vld [tilespmem:$0x2DC0];
	v59 =	vadd.f32 v20, v59  }
0x1bf: {  	v20 =	vld [tilespmem:$0x2E80]  }
0x1c0: {  	v37 =	vadd.f32 v38, v59;
	v38 =	vadd.f32 v42, v18;
	v18 =	vld [tilespmem:$0x2F00]  }
0x1c1: {  	v42 =	vld [tilespmem:$0x1FEF0]  }
0x1c2: {  	v59 =	vadd.f32 v40, v13;
	v13 =	vld [tilespmem:$0x2F40]  }
0x1c3: {  	v40 =	vadd.f32 v41, v9;
	v9 =	vld [tilespmem:$0x2FC0]  }
0x1c4: {  	v41 =	vld [tilespmem:$0x2C10]  }
0x1c5: {  	v59 =	vadd.f32 v45, v59;
	v45 =	vld [tilespmem:$0x1FF00]  }
0x1c6: {  	v38 =	vadd.f32 v43, v38;
	v39 =	vadd.f32 v39, v40;
	v40 =	vld [tilespmem:$0x2C90]  }
0x1c7: {  	v43 =	vld [tilespmem:$0x2F90]  }
0x1c8: {  	v38 =	vadd.f32 v44, v38;
	v35 =	vadd.f32 v35, v39;
	v39 =	vld [tilespmem:$0x2D10]  }
0x1c9: {  	v37 =	vadd.f32 v42, v37;
	v42 =	vld [tilespmem:$0x2C50]  }
0x1ca: {  	v59 =	vadd.f32 v46, v59;
	v38 =	vadd.f32 v47, v38;
	v47 =	vld [tilespmem:$0x1FF20]  }
0x1cb: {  	v35 =	vadd.f32 v36, v35;
	v36 =	vld [tilespmem:$0x2D90]  }
0x1cc: {  	v46 =	vadd.f32 v48, v59;
	v37 =	vadd.f32 v45, v37;
	v45 =	vld [tilespmem:$0x1FF10]  }
0x1cd: {  	v29 =	vadd.f32 v29, v38;
	v38 =	vld [tilespmem:$0x2CD0]  }
0x1ce: {  	v48 =	vadd.f32 v49, v46;
	v49 =	vld [tilespmem:$0x1FF30]  }
0x1cf: {  	v27 =	vadd.f32 v27, v35;
	v35 =	vld [tilespmem:$0x2E10]  }
0x1d0: {  	v29 =	vadd.f32 v31, v29;
	v31 =	vld [tilespmem:$0x2D50]  }
0x1d1: {  	v41 =	vadd.f32 $0.0e+00, v41;
	v26 =	vadd.f32 v26, v27;
	v27 =	vld [tilespmem:$0x2E90]  }
0x1d2: {  	v59 =	vadd.f32 v50, v48;
	v50 =	vld [tilespmem:$0x1FF70]  }
0x1d3: {  	v41 =	vadd.f32 v42, v41;
	v42 =	vld [tilespmem:$0x2E60]  }
0x1d4: {  	v37 =	vadd.f32 v45, v37;
	v45 =	vld [tilespmem:$0x1FF40]  }
0x1d5: {  	v29 =	vadd.f32 v32, v29;
	v32 =	vld [tilespmem:$0x2DD0]  }
0x1d6: {  	v46 =	vadd.f32 v51, v59;
	v51 =	vld [tilespmem:$0x1FF80]  }
0x1d7: {  	v59 =	vld [tilespmem:$0x2C30]  }
0x1d8: {  	v40 =	vadd.f32 v40, v41;
	v41 =	vld [tilespmem:$0x2E30]  }
0x1d9: {  	v25 =	vadd.f32 v25, v26;
	v37 =	vadd.f32 v47, v37;
	v47 =	vld [tilespmem:$0x1FF50]  }
0x1da: {  	v22 =	vadd.f32 v22, v29;
	v29 =	vld [tilespmem:$0x2E50]  }
0x1db: {  	v25 =	vadd.f32 v33, v25;
	v33 =	vld [tilespmem:$0x2F10]  }
0x1dc: {  	v48 =	vadd.f32 v52, v46;
	v52 =	vld [tilespmem:$0x1FF90]  }
0x1dd: {  	v38 =	vadd.f32 v38, v40;
	v40 =	vld [tilespmem:$0x2E20]  }
0x1de: {  	v46 =	vld [tilespmem:$0x2EB0]  }
0x1df: {  	v37 =	vadd.f32 v49, v37;
	v49 =	vld [tilespmem:$0x1FF60]  }
0x1e0: {  	v15 =	vadd.f32 v15, v22;
	v26 =	vadd.f32 v53, v48;
	v53 =	vld [tilespmem:$0x1FFA0]  }
0x1e1: {  	v22 =	vld [tilespmem:$0x2ED0];
	v37 =	vadd.f32 v45, v37  }
0x1e2: {  	v48 =	vld [tilespmem:$0x2C60];
	v8 =	vadd.f32 v8, v15;
	v26 =	vadd.f32 v54, v26  }
0x1e3: {  	v25 =	vadd.f32 v51, v25;
	v54 =	vld [tilespmem:$0x2C20];
	v37 =	vadd.f32 v47, v37  }
0x1e4: {  	v51 =	vld [tilespmem:$0x2CA0];
	v8 =	vadd.f32 v19, v8;
	v26 =	vadd.f32 v55, v26  }
0x1e5: {  	v15 =	vld [tilespmem:$0x2F50];
	v25 =	vadd.f32 v53, v25;
	v37 =	vadd.f32 v49, v37  }
0x1e6: {  	v55 =	vld [tilespmem:$0x1FFB0];
	v8 =	vadd.f32 v24, v8;
	v26 =	vadd.f32 v56, v26  }
0x1e7: {  	v49 =	vadd.f32 $0.0e+00, v58;
	v37 =	vadd.f32 v50, v37;
	v50 =	vld [tilespmem:$0x2C70]  }
0x1e8: {  	v45 =	vld [tilespmem:$0x2EA0];
	v44 =	vadd.f32 $0.0e+00, v54;
	v8 =	vadd.f32 v14, v8  }
0x1e9: {  	v14 =	vadd.f32 v60, v49;
	v37 =	vadd.f32 v52, v37;
	v52 =	vld [tilespmem:$0x2CB0]  }
0x1ea: {  	v53 =	vld [tilespmem:$0x2CE0];
	v24 =	vadd.f32 $0.0e+00, v59;
	v25 =	vadd.f32 v30, v25  }
0x1eb: {  	v54 =	vld [tilespmem:$0x2CF0];
	v30 =	vadd.f32 v48, v44;
	v14 =	vadd.f32 v61, v14  }
0x1ec: {  	v37 =	vadd.f32 v55, v37;
	v55 =	vld [tilespmem:$0x2D20];
	v24 =	vadd.f32 v50, v24  }
0x1ed: {  	v56 =	vld [tilespmem:$0x2D30];
	v30 =	vadd.f32 v51, v30;
	v14 =	vadd.f32 v62, v14  }
0x1ee: {  	v26 =	vadd.f32 v57, v26;
	v57 =	vld [tilespmem:$0x2D60];
	v24 =	vadd.f32 v52, v24  }
0x1ef: {  	v58 =	vld [tilespmem:$0x2D70];
	v30 =	vadd.f32 v53, v30;
	v14 =	vadd.f32 v63, v14  }
0x1f0: {  	v38 =	vadd.f32 v39, v38;
	v59 =	vld [tilespmem:$0x2DA0];
	v24 =	vadd.f32 v54, v24  }
0x1f1: {  	v61 =	vld [tilespmem:$0x2DB0];
	v6 =	vadd.f32 v6, v14;
	v60 =	vadd.f32 v55, v30  }
0x1f2: {  	v31 =	vadd.f32 v31, v38;
	v62 =	vld [tilespmem:$0x2DE0];
	v24 =	vadd.f32 v56, v24  }
0x1f3: {  	v63 =	vld [tilespmem:$0x2DF0];
	v6 =	vadd.f32 v28, v6;
	v14 =	vadd.f32 v57, v60  }
0x1f4: {  	v19 =	vld [tilespmem:$0x2FD0];
	v31 =	vadd.f32 v36, v31;
	v24 =	vadd.f32 v58, v24  }
0x1f5: {  	v47 =	vld [tilespmem:$0x2EE0];
	v6 =	vadd.f32 v7, v6;
	v7 =	vadd.f32 v59, v14  }
0x1f6: {  	v31 =	vadd.f32 v32, v31;
	v49 =	vld [tilespmem:$0x2EF0];
	v24 =	vadd.f32 v61, v24  }
0x1f7: {  	v44 =	vld [tilespmem:$0x2E70];
	v6 =	vadd.f32 v34, v6;
	v7 =	vadd.f32 v62, v7  }
0x1f8: {  	v31 =	vadd.f32 v35, v31;
	v48 =	vld [tilespmem:$0x1FFC0];
	v24 =	vadd.f32 v63, v24  }
0x1f9: {  	v51 =	vld [tilespmem:$0x2F20];
	v6 =	vadd.f32 v10, v6;
	v7 =	vadd.f32 v40, v7  }
0x1fa: {  	v29 =	vadd.f32 v29, v31;
	v50 =	vld [tilespmem:$0x1FFD0];
	v14 =	vadd.f32 v41, v24  }
0x1fb: {  	[tilespmem:$0x3080] =	vst v21;
	v53 =	vld [tilespmem:$0x2F30];
	v6 =	vadd.f32 v20, v6;
	v7 =	vadd.f32 v42, v7  }
0x1fc: {  	[tilespmem:$0x3090] =	vst v11;
	v27 =	vadd.f32 v27, v29;
	v52 =	vld [tilespmem:$0x1FFE0];
	v14 =	vadd.f32 v44, v14  }
0x1fd: {  	[tilespmem:$0x30A0] =	vst v17;
	v54 =	vld [tilespmem:$0x1FFF0];
	v6 =	vadd.f32 v12, v6;
	v7 =	vadd.f32 v45, v7  }
0x1fe: {  	[tilespmem:$0x30B0] =	vst v23;
	v22 =	vadd.f32 v22, v27;
	v55 =	vld [tilespmem:$0x2F60];
	v10 =	vadd.f32 v46, v14  }
0x1ff: {  	[tilespmem:$0x3110] =	vst v25;
	v56 =	vld [tilespmem:$0x2F70];
	v6 =	vadd.f32 v18, v6;
	v7 =	vadd.f32 v47, v7  }
0x200: {  	[tilespmem:$0x3120] =	vst v8;
	v57 =	vadd.f32 v33, v22;
	v58 =	vld [tilespmem:$0x2FA0];
	v10 =	vadd.f32 v49, v10  }
0x201: {  	[tilespmem:$0x3130] =	vst v26;
	v59 =	vld [tilespmem:$0x2FB0];
	v6 =	vadd.f32 v13, v6;
	v7 =	vadd.f32 v51, v7  }
0x202: {  	[tilespmem:$0x3000] =	vst v48;
	v60 =	vld [tilespmem:$0x2FE0];
	v11 =	vadd.f32 v15, v57;
	v10 =	vadd.f32 v53, v10  }
0x203: {  	[tilespmem:$0x3100] =	vst v37;
	v61 =	vld [tilespmem:$0x2FF0];
	v6 =	vadd.f32 v16, v6;
	v7 =	vadd.f32 v55, v7  }
0x204: {  	[tilespmem:$0x3010] =	vst v50;
	v11 =	vadd.f32 v43, v11;
	v10 =	vadd.f32 v56, v10  }
0x205: {  	[tilespmem:$0x3020] =	vst v52;
	v6 =	vadd.f32 v9, v6;
	v7 =	vadd.f32 v58, v7  }
0x206: {  	[tilespmem:$0x3030] =	vst v54;
	v62 =	vadd.f32 v19, v11;
	v63 =	vadd.f32 v59, v10  }
0x207: {  	[tilespmem:$0x3180] =	vst v6;
	v6 =	vadd.f32 v60, v7  }
0x208: {  	s11 =	sadd.s32 $0x1, s11;
	[tilespmem:$0x3190] =	vst v62;
	v7 =	vadd.f32 v61, v63  }
0x209: {  	p0 =	sne.s32 s11, s5;
	[tilespmem:$0x31A0] =	vst v6  }
.Ltmp5:
0x20a: {  	[tilespmem:$0x31B0] =	vst v7;
	(pc) =	sbr.rel @p0 .LBB2_1-.Ltmp5, $4  }
0x20b: {  	[hbm4b:s4+s2] =	stream.linear.scatter [tilespmem:s10], [sflag:$0x1], $0x200, $0x38;
	[tilespmem:$0x3200] =	vst v63  }
0x20c: {  	_ =	swait.ge [sflag:s8], $0x200  }
0x20d: {  	[sflag:s8] =	ssyncset.done $0x0  }
0x20e: {  	[sflag:s8] =	ssyncadd.s32 $0xFFFFFE00  }
0x20f: {  	_ =	sfence.sel $0x180000  }
0x210: {  	[bflag:$0x0] =	sbarrier.arrive $0xFFFF  }
0x211: {  	p0 =	sne.s32 s1, $0x0;
	_ =	strace $0x90000047  }
0x212: {  	s0 =	sadd.s32 @!p0 $0x100000, s0;
	[bflag:$0x2] =	sbarrier.arrive $0xFFFF  }
0x213: {  	[sflag:s0] =	ssyncadd.tile.s32 @!p0 $0x1;
	_ =	shalt  }
.Lfunc_end2:
_tile_overlayer_lowered:
.L_overlay_start_2:
0x214: {  	(tag) =	ssettag $0x2  }
0x215: {  	s0 =	rddreg [dreg:$0x0];
	s2 =	stileid.u32  }
0x216: {  	s1 =	rddreg [dreg:$0x1];
	p0 =	sne.s32 s2, $0x0  }
0x217: {  	s3 =	rddreg [dreg:$0x2];
	[bflag:$0x3] =	sbarrier.arrive $0xFFFF;
	s2 =	simm.s32 @!p0 $0x1C01  }
0x218: {  	[timem:s3], [sflag:s2] =	dma.local @!p0 [hbm:s0], s1  }
0x219: {  	s0 =	simm.s32 @!p0 $0x1  }
0x21a: {  	_ =	swait.ge @!p0 [sflag:s0], s1  }
0x21b: {  	s1 =	ssub.s32 @!p0 $0x0, s1;
	[sflag:s0] =	ssyncset.done @!p0 $0x0  }
0x21c: {  	[sflag:s0] =	ssyncadd.s32 @!p0 s1  }
0x21d: {  	[bflag:$0x3] =	sbarrier.arrive $0xFFFF  }
0x21e: {  	_ =	shalt  }

</sc_bundles>
